<compile_context>
chip_gen: v7x
topology: tpu7x:2x2x1
jax: 0.10.2.dev20260603
libtpu: 0.0.44.dev20260713+nightly
codegen_flags: <defaults>
</compile_context>

<pallas_src>
import functools

import jax
import jax.numpy as jnp
from jax import lax
from jax.experimental import pallas as pl
from jax.experimental.pallas import tpu as pltpu
from jax.experimental.pallas import tpu_sc as plsc

CONF_THRESH = 0.01
IOU_THR = 0.45
TOP_K = 200
NMS_MAX = 400
IMG_H = 512.0
IMG_W = 512.0

NEG_INF = float('-inf')
BIG_I32 = 2**30
M = 640
MPAD = M + 16
BISECT_ITERS = 16
SC_CORES = 2
SC_SUBCORES = 16
SC_LANES = 16


def _prep_body(conf_ref, par_ref, thr_o, coords_o, *, n_prob, n_cls,
               npad):
    s = conf_ref[...]

    def p(b, j):
        return par_ref[b, j][None, :]

    for b in range(n_prob // n_cls):
        cx = p(b, 0) * p(b, 8) * p(b, 6) + p(b, 4)
        cy = p(b, 1) * p(b, 9) * p(b, 7) + p(b, 5)
        w = jnp.exp(p(b, 2) * p(b, 10)) * p(b, 6)
        h = jnp.exp(p(b, 3) * p(b, 11)) * p(b, 7)
        coords_o[b] = jnp.concatenate(
            [(cx - 0.5 * w) * IMG_W, (cy - 0.5 * h) * IMG_H,
             (cx + 0.5 * w) * IMG_W, (cy + 0.5 * h) * IMG_H], axis=0)

    target = jnp.float32(M)

    def bisect_step(_, carry):
        lo, hi = carry
        mid = (lo + hi) * 0.5
        cnt = jnp.sum(jnp.where(s > mid, 1.0, 0.0), axis=1, keepdims=True)
        pred = cnt > target
        return jnp.where(pred, mid, lo), jnp.where(pred, hi, mid)

    lo0 = jnp.full((n_prob, 1), CONF_THRESH, jnp.float32)
    hi0 = jnp.ones((n_prob, 1), jnp.float32)
    _, hi = lax.fori_loop(0, BISECT_ITERS, bisect_step, (lo0, hi0))
    thr_o[...] = jnp.broadcast_to(hi, (n_prob, 16))


def _compact_body(s_hbm, thr_hbm, coords_hbm, so_hbm, x1o_hbm, y1o_hbm,
                  x2o_hbm, y2o_hbm, sv, c1v, c2v, c3v, c4v, thrv, scv, idv,
                  g1v, g2v, g3v, g4v, *, n_cls, npad):
    cid = lax.axis_index("c")
    sid = lax.axis_index("s")
    wid = sid * SC_CORES + cid
    b = lax.shift_right_logical(wid, 3)
    u = wid - (b << 3)
    cstart = lax.shift_right_logical(u * n_cls, 3)
    cend = lax.shift_right_logical((u + 1) * n_cls, 3)

    pltpu.sync_copy(coords_hbm.at[b, 0], c1v)
    pltpu.sync_copy(coords_hbm.at[b, 1], c2v)
    pltpu.sync_copy(coords_hbm.at[b, 2], c3v)
    pltpu.sync_copy(coords_hbm.at[b, 3], c4v)

    lane = lax.broadcasted_iota(jnp.int32, (SC_LANES,), 0)
    zf16 = jnp.zeros((SC_LANES,), jnp.float32)
    zi16 = jnp.zeros((SC_LANES,), jnp.int32)
    ninf16 = jnp.full((SC_LANES,), NEG_INF, jnp.float32)

    for slot in range(3):
        c = cstart + slot

        @pl.when(c < cend)
        def _():
            prob = b * n_cls + c
            pltpu.sync_copy(thr_hbm.at[prob], thrv)
            pltpu.sync_copy(s_hbm.at[prob], sv)
            tvec = thrv[...]

            @pl.loop(0, MPAD, step=SC_LANES)
            def _(j):
                scv[pl.ds(j, SC_LANES)] = ninf16
                idv[pl.ds(j, SC_LANES)] = zi16

            def compact_step(i, cnt):
                x = sv[pl.ds(i * SC_LANES, SC_LANES)]
                mask = x > tvec
                plsc.store_compressed(scv.at[pl.ds(cnt, SC_LANES)], x, mask=mask)
                plsc.store_compressed(idv.at[pl.ds(cnt, SC_LANES)],
                                      lane + i * SC_LANES, mask=mask)
                return cnt + jnp.sum(mask.astype(jnp.int32))

            lax.fori_loop(0, npad // SC_LANES, compact_step, jnp.int32(0))

            @pl.loop(0, M, step=SC_LANES)
            def _(g):
                iv = idv[pl.ds(g, SC_LANES)]
                g1v[pl.ds(g, SC_LANES)] = plsc.load_gather(c1v, [iv])
                g2v[pl.ds(g, SC_LANES)] = plsc.load_gather(c2v, [iv])
                g3v[pl.ds(g, SC_LANES)] = plsc.load_gather(c3v, [iv])
                g4v[pl.ds(g, SC_LANES)] = plsc.load_gather(c4v, [iv])

            pltpu.sync_copy(scv.at[pl.ds(0, M)], so_hbm.at[b, c])
            pltpu.sync_copy(g1v, x1o_hbm.at[b, c])
            pltpu.sync_copy(g2v, y1o_hbm.at[b, c])
            pltpu.sync_copy(g3v, x2o_hbm.at[b, c])
            pltpu.sync_copy(g4v, y2o_hbm.at[b, c])


def _stage_b_sc(s_all, thr, coords, B, n_cls, npad):
    cand_shape = jax.ShapeDtypeStruct((B, n_cls, M), jnp.float32)
    sc_kernel = functools.partial(
        pl.kernel,
        mesh=plsc.VectorSubcoreMesh(core_axis_name="c", subcore_axis_name="s"),
        compiler_params=pltpu.CompilerParams(needs_layout_passes=False),
        out_type=[cand_shape] * 5,
        scratch_types=[
            pltpu.VMEM((npad,), jnp.float32),
            pltpu.VMEM((npad,), jnp.float32),
            pltpu.VMEM((npad,), jnp.float32),
            pltpu.VMEM((npad,), jnp.float32),
            pltpu.VMEM((npad,), jnp.float32),
            pltpu.VMEM((16,), jnp.float32),
            pltpu.VMEM((MPAD,), jnp.float32),
            pltpu.VMEM((MPAD,), jnp.int32),
            pltpu.VMEM((M,), jnp.float32),
            pltpu.VMEM((M,), jnp.float32),
            pltpu.VMEM((M,), jnp.float32),
            pltpu.VMEM((M,), jnp.float32),
        ],
    )(functools.partial(_compact_body, n_cls=n_cls, npad=npad))
    return sc_kernel(s_all, thr, coords)


def _nms_body(s_ref, x1_ref, y1_ref, x2_ref, y2_ref, cls_o, conf_o, x1_o,
              y1_o, x2_o, y2_o, *, nb, n_cls):
    s0 = s_ref[...]
    x1 = x1_ref[...]
    y1 = y1_ref[...]
    x2 = x2_ref[...]
    y2 = y2_ref[...]
    area = (x2 - x1) * (y2 - y1)

    li = lax.broadcasted_iota(jnp.int32, (nb, n_cls, M), 2)
    ki = lax.broadcasted_iota(jnp.int32, (nb, n_cls, TOP_K), 2)
    kz = jnp.full((nb, n_cls, TOP_K), NEG_INF, jnp.float32)
    k0 = jnp.zeros((nb, n_cls, TOP_K), jnp.float32)

    def nms_step(k, carry):
        s, ks, kx1, ky1, kx2, ky2 = carry
        m = jnp.max(s, axis=2, keepdims=True)
        j = jnp.min(jnp.where(s == m, li, BIG_I32), axis=2, keepdims=True)
        oh = li == j
        px1 = jnp.sum(jnp.where(oh, x1, 0.0), axis=2, keepdims=True)
        py1 = jnp.sum(jnp.where(oh, y1, 0.0), axis=2, keepdims=True)
        px2 = jnp.sum(jnp.where(oh, x2, 0.0), axis=2, keepdims=True)
        py2 = jnp.sum(jnp.where(oh, y2, 0.0), axis=2, keepdims=True)
        xx1 = jnp.maximum(px1, x1)
        yy1 = jnp.maximum(py1, y1)
        xx2 = jnp.minimum(px2, x2)
        yy2 = jnp.minimum(py2, y2)
        inter = jnp.maximum(0.0, xx2 - xx1) * jnp.maximum(0.0, yy2 - yy1)
        area_i = (px2 - px1) * (py2 - py1)
        union = area_i + area - inter
        iou = jnp.where(union > 0, inter / jnp.maximum(union, 1e-12), 0.0)
        ns = jnp.where(iou <= IOU_THR, s, NEG_INF)
        ns = jnp.where(oh, NEG_INF, ns)
        has = m > NEG_INF
        s = jnp.where(has, ns, s)
        slot = ki == k
        ks = jnp.where(slot, jnp.where(has, m, NEG_INF), ks)
        kx1 = jnp.where(slot, px1, kx1)
        ky1 = jnp.where(slot, py1, ky1)
        kx2 = jnp.where(slot, px2, kx2)
        ky2 = jnp.where(slot, py2, ky2)
        return s, ks, kx1, ky1, kx2, ky2

    _, ks, kx1, ky1, kx2, ky2 = lax.fori_loop(
        0, TOP_K, nms_step, (s0, kz, k0, k0, k0, k0))

    ci1 = lax.broadcasted_iota(jnp.int32, (nb, n_cls, 1), 1)
    ti = lax.broadcasted_iota(jnp.int32, (nb, 1, TOP_K), 2)
    o0 = jnp.zeros((nb, 1, TOP_K), jnp.float32)
    p0 = jnp.zeros((nb, n_cls, 1), jnp.int32)

    def merge_step(t, carry):
        (ptr, hs, hx1, hy1, hx2, hy2,
         ocls, oconf, ox1, oy1, ox2, oy2) = carry
        mm = jnp.max(hs, axis=1, keepdims=True)
        cstar = jnp.min(jnp.where(hs == mm, ci1, BIG_I32), axis=1,
                        keepdims=True)
        val = mm > NEG_INF
        pickc = ci1 == cstar

        def sel(h):
            return jnp.sum(jnp.where(pickc, h, 0.0), axis=1, keepdims=True)

        zero = jnp.zeros((nb, 1, 1), jnp.float32)
        slot = ti == t
        clsv = (cstar + 1).astype(jnp.float32)
        ocls = jnp.where(slot, jnp.where(val, clsv, zero), ocls)
        oconf = jnp.where(slot, jnp.where(val, mm, zero), oconf)
        ox1 = jnp.where(slot, jnp.where(val, sel(hx1), zero), ox1)
        oy1 = jnp.where(slot, jnp.where(val, sel(hy1), zero), oy1)
        ox2 = jnp.where(slot, jnp.where(val, sel(hx2), zero), ox2)
        oy2 = jnp.where(slot, jnp.where(val, sel(hy2), zero), oy2)

        ptr = ptr + pickc.astype(jnp.int32)
        slotm = ki == ptr

        def head(a):
            return jnp.sum(jnp.where(slotm, a, 0.0), axis=2, keepdims=True)

        inb = ptr < TOP_K
        hs = jnp.where(inb, head(ks), NEG_INF)
        hx1 = head(kx1)
        hy1 = head(ky1)
        hx2 = head(kx2)
        hy2 = head(ky2)
        return (ptr, hs, hx1, hy1, hx2, hy2,
                ocls, oconf, ox1, oy1, ox2, oy2)

    init = (p0, ks[:, :, 0:1], kx1[:, :, 0:1], ky1[:, :, 0:1],
            kx2[:, :, 0:1], ky2[:, :, 0:1], o0, o0, o0, o0, o0, o0)
    out_carry = lax.fori_loop(0, TOP_K, merge_step, init)
    ocls, oconf, ox1, oy1, ox2, oy2 = out_carry[6:]
    cls_o[...] = ocls
    conf_o[...] = oconf
    x1_o[...] = ox1
    y1_o[...] = oy1
    x2_o[...] = ox2
    y2_o[...] = oy2


def kernel(y_pred):
    B, N, D = y_pred.shape
    n_cls = D - 12 - 1
    n_prob = B * n_cls
    npad = N
    conf = jnp.transpose(y_pred[:, :, 1:1 + n_cls], (0, 2, 1))
    conf = conf.reshape(n_prob, npad)
    par = jnp.transpose(y_pred[:, :, -12:], (0, 2, 1))

    thr, coords = pl.pallas_call(
        functools.partial(_prep_body, n_prob=n_prob, n_cls=n_cls, npad=npad),
        out_shape=[
            jax.ShapeDtypeStruct((n_prob, 16), jnp.float32),
            jax.ShapeDtypeStruct((B, 4, npad), jnp.float32),
        ],
    )(conf, par)

    s_c, x1_c, y1_c, x2_c, y2_c = _stage_b_sc(conf, thr, coords, B, n_cls,
                                              npad)

    plane = jax.ShapeDtypeStruct((B, 1, TOP_K), jnp.float32)
    outs = pl.pallas_call(
        functools.partial(_nms_body, nb=B, n_cls=n_cls),
        out_shape=[plane] * 6,
    )(s_c, x1_c, y1_c, x2_c, y2_c)
    return jnp.stack([o[:, 0, :] for o in outs], axis=-1)

# --- scband reference (transcript-rebuilt; emitter-appended) ---
"""Pipeline reference for scband-decode-detections-2671469658698 (READ-ONLY COPY).

The authoritative reference and input builder live on the scoring server;
editing this copy changes nothing except your own understanding.
"""

import jax, jax.numpy as jnp
from jax import lax
import numpy as np

CONF_THRESH = 0.01
IOU_THR = 0.45
TOP_K = 200
NMS_MAX = 400
IMG_H = 512.0
IMG_W = 512.0


def setup_inputs(seed: int = 0) -> dict:
    key = jax.random.key(seed)
    y_pred = jax.random.uniform(key, (4, 20000, 33), dtype=jnp.float32)
    return {"y_pred": y_pred}


def _decode(y_pred):
    cx = y_pred[..., -12] * y_pred[..., -4] * y_pred[..., -6] + y_pred[..., -8]
    cy = y_pred[..., -11] * y_pred[..., -3] * y_pred[..., -5] + y_pred[..., -7]
    w = jnp.exp(y_pred[..., -10] * y_pred[..., -2]) * y_pred[..., -6]
    h = jnp.exp(y_pred[..., -9] * y_pred[..., -1]) * y_pred[..., -5]
    xmin = (cx - 0.5 * w) * IMG_W
    ymin = (cy - 0.5 * h) * IMG_H
    xmax = (cx + 0.5 * w) * IMG_W
    ymax = (cy + 0.5 * h) * IMG_H
    return jnp.concatenate([y_pred[..., :-12], xmin[..., None], ymin[..., None], xmax[..., None], ymax[..., None]], axis=-1)


def _nms_keep(boxes, scores, iou_thr, max_out):
    # greedy NMS, boxes are (xmin, ymin, xmax, ymax); IoU is symmetric so
    # ordering matches tf.image.non_max_suppression's (ymin,xmin,ymax,xmax)
    def body(k, carry):
        active, keep_idx, keep_val = carry
        masked = jnp.where(active, scores, -jnp.inf)
        i = jnp.argmax(masked)
        has = jnp.any(active)
        xx1 = jnp.maximum(boxes[i, 0], boxes[:, 0])
        yy1 = jnp.maximum(boxes[i, 1], boxes[:, 1])
        xx2 = jnp.minimum(boxes[i, 2], boxes[:, 2])
        yy2 = jnp.minimum(boxes[i, 3], boxes[:, 3])
        inter = jnp.maximum(0.0, xx2 - xx1) * jnp.maximum(0.0, yy2 - yy1)
        area_i = (boxes[i, 2] - boxes[i, 0]) * (boxes[i, 3] - boxes[i, 1])
        area_r = (boxes[:, 2] - boxes[:, 0]) * (boxes[:, 3] - boxes[:, 1])
        union = area_i + area_r - inter
        iou = jnp.where(union > 0, inter / jnp.maximum(union, 1e-12), 0.0)
        new_active = active & (iou <= iou_thr)
        new_active = new_active.at[i].set(False)
        active = jnp.where(has, new_active, active)
        keep_idx = keep_idx.at[k].set(jnp.where(has, i, 0))
        keep_val = keep_val.at[k].set(has)
        return active, keep_idx, keep_val

    init = (jnp.isfinite(scores),
            jnp.zeros((max_out,), dtype=jnp.int32),
            jnp.zeros((max_out,), dtype=bool))
    _, keep_idx, keep_val = lax.fori_loop(0, max_out, body, init)
    return keep_idx, keep_val


def _select(dec):
    # returns per-slot (box index, class index, valid mask) for the top_k output
    B, N, D = dec.shape
    n_classes = D - 4

    def per_image(dec_b):
        coords_b = dec_b[:, -4:]
        conf_b = dec_b[:, 1:n_classes].T  # (n_classes-1, N)
        masked = jnp.where(conf_b > CONF_THRESH, conf_b, -jnp.inf)
        keep_idx, keep_val = jax.vmap(
            lambda s: _nms_keep(coords_b, s, IOU_THR, NMS_MAX))(masked)
        sc = jnp.take_along_axis(conf_b, keep_idx, axis=1)
        sc = jnp.where(keep_val, sc, -jnp.inf)
        cls = jnp.broadcast_to(jnp.arange(1, n_classes)[:, None], keep_idx.shape)
        sc_f = sc.reshape(-1)
        idx_f = keep_idx.reshape(-1)
        cls_f = cls.reshape(-1)
        val_f = keep_val.reshape(-1)
        order = jnp.argsort(-sc_f, stable=True)[:TOP_K]
        val = val_f[order]
        bi = jnp.where(val, idx_f[order], 0)
        ci = jnp.where(val, cls_f[order], 0)
        return bi, ci, val.astype(jnp.float32)

    return jax.vmap(per_image)(dec)


def reference(y_pred):
    dec = _decode(y_pred)
    box_idx, cls_idx, valid = _select(dec)
    B = dec.shape[0]
    b_ar = jnp.arange(B)[:, None]
    bi = box_idx
    ci = cls_idx
    va = valid
    gathered = dec[b_ar, bi]  # (B, TOP_K, n_classes+4)
    conf = jnp.take_along_axis(gathered, ci[..., None], axis=-1)[..., 0]
    coords = gathered[..., -4:]
    out = jnp.concatenate([ci.astype(jnp.float32)[..., None], conf[..., None], coords], axis=-1)
    return out * va[..., None]

if __name__ == "__main__":
    import jax
    _d = setup_inputs()
    print(jax.jit(kernel)(*tuple(_d.values())))

</pallas_src>

<mosaic_0001>
#map = affine_map<(d0, d1) -> (0, 0)>
#map1 = affine_map<(d0, d1) -> (0, 0, 0)>
module attributes {stable_mosaic.version = 14 : i64} {
  func.func @_compact_body(%arg0: i32, %arg1: i32, %arg2: memref<80x20000xf32, #tpu.memory_space<hbm>>, %arg3: memref<80x16xf32, #tpu.memory_space<hbm>>, %arg4: memref<4x4x20000xf32, #tpu.memory_space<hbm>>, %arg5: memref<4x20x640xf32, #tpu.memory_space<hbm>>, %arg6: memref<4x20x640xf32, #tpu.memory_space<hbm>>, %arg7: memref<4x20x640xf32, #tpu.memory_space<hbm>>, %arg8: memref<4x20x640xf32, #tpu.memory_space<hbm>>, %arg9: memref<4x20x640xf32, #tpu.memory_space<hbm>>, %arg10: memref<20000xf32, #tpu.memory_space<vmem>>, %arg11: memref<20000xf32, #tpu.memory_space<vmem>>, %arg12: memref<20000xf32, #tpu.memory_space<vmem>>, %arg13: memref<20000xf32, #tpu.memory_space<vmem>>, %arg14: memref<20000xf32, #tpu.memory_space<vmem>>, %arg15: memref<16xf32, #tpu.memory_space<vmem>>, %arg16: memref<656xf32, #tpu.memory_space<vmem>>, %arg17: memref<656xi32, #tpu.memory_space<vmem>>, %arg18: memref<640xf32, #tpu.memory_space<vmem>>, %arg19: memref<640xf32, #tpu.memory_space<vmem>>, %arg20: memref<640xf32, #tpu.memory_space<vmem>>, %arg21: memref<640xf32, #tpu.memory_space<vmem>>) attributes {dimension_semantics = [#tpu.dimension_semantics<core_parallel>, #tpu.dimension_semantics<subcore_parallel>], iteration_bounds = array<i64: 2, 16>, scalar_prefetch = 0 : i64, scratch_operands = 12 : i64, tpu.core_type = #tpu.core_type<sc_vector_subcore>, window_params = [{transform_indices = #map}, {transform_indices = #map}, {transform_indices = #map1}, {transform_indices = #map1}, {transform_indices = #map1}, {transform_indices = #map1}, {transform_indices = #map1}, {transform_indices = #map1}]} {
    %mul3A = arith.constant 2 : i32
    %mul3A_0 = arith.muli %arg1, %mul3A : i32
    %add3A = arith.addi %mul3A_0, %arg0 : i32
    %shift_right_logical3A = arith.constant 3 : i32
    %shift_right_logical3A_1 = arith.shrui %add3A, %shift_right_logical3A : i32
    %shift_left3A = arith.constant 3 : i32
    %shift_left3A_2 = arith.shli %shift_right_logical3A_1, %shift_left3A : i32
    %sub3A = arith.subi %add3A, %shift_left3A_2 : i32
    %mul3A_3 = arith.constant 20 : i32
    %mul3A_4 = arith.muli %sub3A, %mul3A_3 : i32
    %shift_right_logical3A_5 = arith.constant 3 : i32
    %shift_right_logical3A_6 = arith.shrui %mul3A_4, %shift_right_logical3A_5 : i32
    %add3A_7 = arith.constant 1 : i32
    %add3A_8 = arith.addi %sub3A, %add3A_7 : i32
    %mul3A_9 = arith.constant 20 : i32
    %mul3A_10 = arith.muli %add3A_8, %mul3A_9 : i32
    %shift_right_logical3A_11 = arith.constant 3 : i32
    %shift_right_logical3A_12 = arith.shrui %mul3A_10, %shift_right_logical3A_11 : i32
    %run_scoped3A = arith.constant 0 : i32
    "tpu.region"() ({
      %run_scoped3A_36 = tpu.sem_alloc : memref<!tpu.dma_semaphore, #tpu.memory_space<semaphore_mem>>
      %dma_start3A = arith.constant 0 : i32
      %dma_start3A_37 = tpu.memref_slice %arg4[%shift_right_logical3A_1, %run_scoped3A, %dma_start3A] : memref<4x4x20000xf32, #tpu.memory_space<hbm>> -> memref<1x1x20000xf32, #tpu.memory_space<hbm>>
      %dma_start3A_38 = tpu.memref_squeeze %dma_start3A_37 : memref<1x1x20000xf32, #tpu.memory_space<hbm>> -> memref<20000xf32, #tpu.memory_space<hbm>>
      %dma_start3A_39 = arith.constant 0 : i32
      %dma_start3A_40 = tpu.memref_slice %arg4[%shift_right_logical3A_1, %run_scoped3A, %dma_start3A_39] : memref<4x4x20000xf32, #tpu.memory_space<hbm>> -> memref<1x1x20000xf32, #tpu.memory_space<hbm>>
      %dma_start3A_41 = tpu.memref_squeeze %dma_start3A_40 : memref<1x1x20000xf32, #tpu.memory_space<hbm>> -> memref<20000xf32, #tpu.memory_space<hbm>>
      tpu.enqueue_dma source(%dma_start3A_41 : memref<20000xf32, #tpu.memory_space<hbm>>) target(%arg11 : memref<20000xf32, #tpu.memory_space<vmem>>) target_semaphore(%run_scoped3A_36 : memref<!tpu.dma_semaphore, #tpu.memory_space<semaphore_mem>>)
      %dma_wait3A = arith.constant 0 : i32
      %dma_wait3A_42 = tpu.memref_slice %arg4[%shift_right_logical3A_1, %run_scoped3A, %dma_wait3A] : memref<4x4x20000xf32, #tpu.memory_space<hbm>> -> memref<1x1x20000xf32, #tpu.memory_space<hbm>>
      %dma_wait3A_43 = tpu.memref_squeeze %dma_wait3A_42 : memref<1x1x20000xf32, #tpu.memory_space<hbm>> -> memref<20000xf32, #tpu.memory_space<hbm>>
      %dma_wait3A_44 = arith.constant 0 : i32
      %dma_wait3A_45 = tpu.memref_slice %arg4[%shift_right_logical3A_1, %run_scoped3A, %dma_wait3A_44] : memref<4x4x20000xf32, #tpu.memory_space<hbm>> -> memref<1x1x20000xf32, #tpu.memory_space<hbm>>
      %dma_wait3A_46 = tpu.memref_squeeze %dma_wait3A_45 : memref<1x1x20000xf32, #tpu.memory_space<hbm>> -> memref<20000xf32, #tpu.memory_space<hbm>>
      tpu.wait_dma2 semaphore(%run_scoped3A_36 : memref<!tpu.dma_semaphore, #tpu.memory_space<semaphore_mem>>) src(%dma_wait3A_46 : memref<20000xf32, #tpu.memory_space<hbm>>) dst(%arg11 : memref<20000xf32, #tpu.memory_space<vmem>>)
      tpu.yield
    }) : () -> ()
    %run_scoped3A_13 = arith.constant 1 : i32
    "tpu.region"() ({
      %run_scoped3A_36 = tpu.sem_alloc : memref<!tpu.dma_semaphore, #tpu.memory_space<semaphore_mem>>
      %dma_start3A = arith.constant 0 : i32
      %dma_start3A_37 = tpu.memref_slice %arg4[%shift_right_logical3A_1, %run_scoped3A_13, %dma_start3A] : memref<4x4x20000xf32, #tpu.memory_space<hbm>> -> memref<1x1x20000xf32, #tpu.memory_space<hbm>>
      %dma_start3A_38 = tpu.memref_squeeze %dma_start3A_37 : memref<1x1x20000xf32, #tpu.memory_space<hbm>> -> memref<20000xf32, #tpu.memory_space<hbm>>
      %dma_start3A_39 = arith.constant 0 : i32
      %dma_start3A_40 = tpu.memref_slice %arg4[%shift_right_logical3A_1, %run_scoped3A_13, %dma_start3A_39] : memref<4x4x20000xf32, #tpu.memory_space<hbm>> -> memref<1x1x20000xf32, #tpu.memory_space<hbm>>
      %dma_start3A_41 = tpu.memref_squeeze %dma_start3A_40 : memref<1x1x20000xf32, #tpu.memory_space<hbm>> -> memref<20000xf32, #tpu.memory_space<hbm>>
      tpu.enqueue_dma source(%dma_start3A_41 : memref<20000xf32, #tpu.memory_space<hbm>>) target(%arg12 : memref<20000xf32, #tpu.memory_space<vmem>>) target_semaphore(%run_scoped3A_36 : memref<!tpu.dma_semaphore, #tpu.memory_space<semaphore_mem>>)
      %dma_wait3A = arith.constant 0 : i32
      %dma_wait3A_42 = tpu.memref_slice %arg4[%shift_right_logical3A_1, %run_scoped3A_13, %dma_wait3A] : memref<4x4x20000xf32, #tpu.memory_space<hbm>> -> memref<1x1x20000xf32, #tpu.memory_space<hbm>>
      %dma_wait3A_43 = tpu.memref_squeeze %dma_wait3A_42 : memref<1x1x20000xf32, #tpu.memory_space<hbm>> -> memref<20000xf32, #tpu.memory_space<hbm>>
      %dma_wait3A_44 = arith.constant 0 : i32
      %dma_wait3A_45 = tpu.memref_slice %arg4[%shift_right_logical3A_1, %run_scoped3A_13, %dma_wait3A_44] : memref<4x4x20000xf32, #tpu.memory_space<hbm>> -> memref<1x1x20000xf32, #tpu.memory_space<hbm>>
      %dma_wait3A_46 = tpu.memref_squeeze %dma_wait3A_45 : memref<1x1x20000xf32, #tpu.memory_space<hbm>> -> memref<20000xf32, #tpu.memory_space<hbm>>
      tpu.wait_dma2 semaphore(%run_scoped3A_36 : memref<!tpu.dma_semaphore, #tpu.memory_space<semaphore_mem>>) src(%dma_wait3A_46 : memref<20000xf32, #tpu.memory_space<hbm>>) dst(%arg12 : memref<20000xf32, #tpu.memory_space<vmem>>)
      tpu.yield
    }) : () -> ()
    %run_scoped3A_14 = arith.constant 2 : i32
    "tpu.region"() ({
      %run_scoped3A_36 = tpu.sem_alloc : memref<!tpu.dma_semaphore, #tpu.memory_space<semaphore_mem>>
      %dma_start3A = arith.constant 0 : i32
      %dma_start3A_37 = tpu.memref_slice %arg4[%shift_right_logical3A_1, %run_scoped3A_14, %dma_start3A] : memref<4x4x20000xf32, #tpu.memory_space<hbm>> -> memref<1x1x20000xf32, #tpu.memory_space<hbm>>
      %dma_start3A_38 = tpu.memref_squeeze %dma_start3A_37 : memref<1x1x20000xf32, #tpu.memory_space<hbm>> -> memref<20000xf32, #tpu.memory_space<hbm>>
      %dma_start3A_39 = arith.constant 0 : i32
      %dma_start3A_40 = tpu.memref_slice %arg4[%shift_right_logical3A_1, %run_scoped3A_14, %dma_start3A_39] : memref<4x4x20000xf32, #tpu.memory_space<hbm>> -> memref<1x1x20000xf32, #tpu.memory_space<hbm>>
      %dma_start3A_41 = tpu.memref_squeeze %dma_start3A_40 : memref<1x1x20000xf32, #tpu.memory_space<hbm>> -> memref<20000xf32, #tpu.memory_space<hbm>>
      tpu.enqueue_dma source(%dma_start3A_41 : memref<20000xf32, #tpu.memory_space<hbm>>) target(%arg13 : memref<20000xf32, #tpu.memory_space<vmem>>) target_semaphore(%run_scoped3A_36 : memref<!tpu.dma_semaphore, #tpu.memory_space<semaphore_mem>>)
      %dma_wait3A = arith.constant 0 : i32
      %dma_wait3A_42 = tpu.memref_slice %arg4[%shift_right_logical3A_1, %run_scoped3A_14, %dma_wait3A] : memref<4x4x20000xf32, #tpu.memory_space<hbm>> -> memref<1x1x20000xf32, #tpu.memory_space<hbm>>
      %dma_wait3A_43 = tpu.memref_squeeze %dma_wait3A_42 : memref<1x1x20000xf32, #tpu.memory_space<hbm>> -> memref<20000xf32, #tpu.memory_space<hbm>>
      %dma_wait3A_44 = arith.constant 0 : i32
      %dma_wait3A_45 = tpu.memref_slice %arg4[%shift_right_logical3A_1, %run_scoped3A_14, %dma_wait3A_44] : memref<4x4x20000xf32, #tpu.memory_space<hbm>> -> memref<1x1x20000xf32, #tpu.memory_space<hbm>>
      %dma_wait3A_46 = tpu.memref_squeeze %dma_wait3A_45 : memref<1x1x20000xf32, #tpu.memory_space<hbm>> -> memref<20000xf32, #tpu.memory_space<hbm>>
      tpu.wait_dma2 semaphore(%run_scoped3A_36 : memref<!tpu.dma_semaphore, #tpu.memory_space<semaphore_mem>>) src(%dma_wait3A_46 : memref<20000xf32, #tpu.memory_space<hbm>>) dst(%arg13 : memref<20000xf32, #tpu.memory_space<vmem>>)
      tpu.yield
    }) : () -> ()
    %run_scoped3A_15 = arith.constant 3 : i32
    "tpu.region"() ({
      %run_scoped3A_36 = tpu.sem_alloc : memref<!tpu.dma_semaphore, #tpu.memory_space<semaphore_mem>>
      %dma_start3A = arith.constant 0 : i32
      %dma_start3A_37 = tpu.memref_slice %arg4[%shift_right_logical3A_1, %run_scoped3A_15, %dma_start3A] : memref<4x4x20000xf32, #tpu.memory_space<hbm>> -> memref<1x1x20000xf32, #tpu.memory_space<hbm>>
      %dma_start3A_38 = tpu.memref_squeeze %dma_start3A_37 : memref<1x1x20000xf32, #tpu.memory_space<hbm>> -> memref<20000xf32, #tpu.memory_space<hbm>>
      %dma_start3A_39 = arith.constant 0 : i32
      %dma_start3A_40 = tpu.memref_slice %arg4[%shift_right_logical3A_1, %run_scoped3A_15, %dma_start3A_39] : memref<4x4x20000xf32, #tpu.memory_space<hbm>> -> memref<1x1x20000xf32, #tpu.memory_space<hbm>>
      %dma_start3A_41 = tpu.memref_squeeze %dma_start3A_40 : memref<1x1x20000xf32, #tpu.memory_space<hbm>> -> memref<20000xf32, #tpu.memory_space<hbm>>
      tpu.enqueue_dma source(%dma_start3A_41 : memref<20000xf32, #tpu.memory_space<hbm>>) target(%arg14 : memref<20000xf32, #tpu.memory_space<vmem>>) target_semaphore(%run_scoped3A_36 : memref<!tpu.dma_semaphore, #tpu.memory_space<semaphore_mem>>)
      %dma_wait3A = arith.constant 0 : i32
      %dma_wait3A_42 = tpu.memref_slice %arg4[%shift_right_logical3A_1, %run_scoped3A_15, %dma_wait3A] : memref<4x4x20000xf32, #tpu.memory_space<hbm>> -> memref<1x1x20000xf32, #tpu.memory_space<hbm>>
      %dma_wait3A_43 = tpu.memref_squeeze %dma_wait3A_42 : memref<1x1x20000xf32, #tpu.memory_space<hbm>> -> memref<20000xf32, #tpu.memory_space<hbm>>
      %dma_wait3A_44 = arith.constant 0 : i32
      %dma_wait3A_45 = tpu.memref_slice %arg4[%shift_right_logical3A_1, %run_scoped3A_15, %dma_wait3A_44] : memref<4x4x20000xf32, #tpu.memory_space<hbm>> -> memref<1x1x20000xf32, #tpu.memory_space<hbm>>
      %dma_wait3A_46 = tpu.memref_squeeze %dma_wait3A_45 : memref<1x1x20000xf32, #tpu.memory_space<hbm>> -> memref<20000xf32, #tpu.memory_space<hbm>>
      tpu.wait_dma2 semaphore(%run_scoped3A_36 : memref<!tpu.dma_semaphore, #tpu.memory_space<semaphore_mem>>) src(%dma_wait3A_46 : memref<20000xf32, #tpu.memory_space<hbm>>) dst(%arg14 : memref<20000xf32, #tpu.memory_space<vmem>>)
      tpu.yield
    }) : () -> ()
    %iota3A = tpu.iota {dimensions = array<i32: 0>} : vector<16xi32>
    %broadcast_in_dim3A = arith.constant 0.000000e+00 : f32
    %broadcast_in_dim3A_16 = vector.broadcast %broadcast_in_dim3A : f32 to vector<16xf32>
    %broadcast_in_dim3A_17 = arith.constant 0 : i32
    %broadcast_in_dim3A_18 = vector.broadcast %broadcast_in_dim3A_17 : i32 to vector<16xi32>
    %broadcast_in_dim3A_19 = arith.constant 0xFF800000 : f32
    %broadcast_in_dim3A_20 = vector.broadcast %broadcast_in_dim3A_19 : f32 to vector<16xf32>
    %add3A_21 = arith.constant 0 : i32
    %add3A_22 = arith.addi %shift_right_logical3A_6, %add3A_21 : i32
    %lt3A = arith.cmpi slt, %add3A_22, %shift_right_logical3A_12 : i32
    %convert_element_type3A = arith.extui %lt3A : i1 to i32
    %cond3A = arith.constant 0 : i32
    %cond3A_23 = arith.cmpi ne, %convert_element_type3A, %cond3A : i32
    scf.if %cond3A_23 {
      %mul3A_36 = arith.constant 20 : i32
      %mul3A_37 = arith.muli %shift_right_logical3A_1, %mul3A_36 : i32
      %add3A_38 = arith.addi %mul3A_37, %add3A_22 : i32
      "tpu.region"() ({
        %run_scoped3A_56 = tpu.sem_alloc : memref<!tpu.dma_semaphore, #tpu.memory_space<semaphore_mem>>
        %dma_start3A = arith.constant 0 : i32
        %dma_start3A_57 = tpu.memref_slice %arg3[%add3A_38, %dma_start3A] : memref<80x16xf32, #tpu.memory_space<hbm>> -> memref<1x16xf32, #tpu.memory_space<hbm>>
        %dma_start3A_58 = tpu.memref_squeeze %dma_start3A_57 : memref<1x16xf32, #tpu.memory_space<hbm>> -> memref<16xf32, #tpu.memory_space<hbm>>
        %dma_start3A_59 = arith.constant 0 : i32
        %dma_start3A_60 = tpu.memref_slice %arg3[%add3A_38, %dma_start3A_59] : memref<80x16xf32, #tpu.memory_space<hbm>> -> memref<1x16xf32, #tpu.memory_space<hbm>>
        %dma_start3A_61 = tpu.memref_squeeze %dma_start3A_60 : memref<1x16xf32, #tpu.memory_space<hbm>> -> memref<16xf32, #tpu.memory_space<hbm>>
        tpu.enqueue_dma source(%dma_start3A_61 : memref<16xf32, #tpu.memory_space<hbm>>) target(%arg15 : memref<16xf32, #tpu.memory_space<vmem>>) target_semaphore(%run_scoped3A_56 : memref<!tpu.dma_semaphore, #tpu.memory_space<semaphore_mem>>)
        %dma_wait3A = arith.constant 0 : i32
        %dma_wait3A_62 = tpu.memref_slice %arg3[%add3A_38, %dma_wait3A] : memref<80x16xf32, #tpu.memory_space<hbm>> -> memref<1x16xf32, #tpu.memory_space<hbm>>
        %dma_wait3A_63 = tpu.memref_squeeze %dma_wait3A_62 : memref<1x16xf32, #tpu.memory_space<hbm>> -> memref<16xf32, #tpu.memory_space<hbm>>
        %dma_wait3A_64 = arith.constant 0 : i32
        %dma_wait3A_65 = tpu.memref_slice %arg3[%add3A_38, %dma_wait3A_64] : memref<80x16xf32, #tpu.memory_space<hbm>> -> memref<1x16xf32, #tpu.memory_space<hbm>>
        %dma_wait3A_66 = tpu.memref_squeeze %dma_wait3A_65 : memref<1x16xf32, #tpu.memory_space<hbm>> -> memref<16xf32, #tpu.memory_space<hbm>>
        tpu.wait_dma2 semaphore(%run_scoped3A_56 : memref<!tpu.dma_semaphore, #tpu.memory_space<semaphore_mem>>) src(%dma_wait3A_66 : memref<16xf32, #tpu.memory_space<hbm>>) dst(%arg15 : memref<16xf32, #tpu.memory_space<vmem>>)
        tpu.yield
      }) : () -> ()
      "tpu.region"() ({
        %run_scoped3A_56 = tpu.sem_alloc : memref<!tpu.dma_semaphore, #tpu.memory_space<semaphore_mem>>
        %dma_start3A = arith.constant 0 : i32
        %dma_start3A_57 = tpu.memref_slice %arg2[%add3A_38, %dma_start3A] : memref<80x20000xf32, #tpu.memory_space<hbm>> -> memref<1x20000xf32, #tpu.memory_space<hbm>>
        %dma_start3A_58 = tpu.memref_squeeze %dma_start3A_57 : memref<1x20000xf32, #tpu.memory_space<hbm>> -> memref<20000xf32, #tpu.memory_space<hbm>>
        %dma_start3A_59 = arith.constant 0 : i32
        %dma_start3A_60 = tpu.memref_slice %arg2[%add3A_38, %dma_start3A_59] : memref<80x20000xf32, #tpu.memory_space<hbm>> -> memref<1x20000xf32, #tpu.memory_space<hbm>>
        %dma_start3A_61 = tpu.memref_squeeze %dma_start3A_60 : memref<1x20000xf32, #tpu.memory_space<hbm>> -> memref<20000xf32, #tpu.memory_space<hbm>>
        tpu.enqueue_dma source(%dma_start3A_61 : memref<20000xf32, #tpu.memory_space<hbm>>) target(%arg10 : memref<20000xf32, #tpu.memory_space<vmem>>) target_semaphore(%run_scoped3A_56 : memref<!tpu.dma_semaphore, #tpu.memory_space<semaphore_mem>>)
        %dma_wait3A = arith.constant 0 : i32
        %dma_wait3A_62 = tpu.memref_slice %arg2[%add3A_38, %dma_wait3A] : memref<80x20000xf32, #tpu.memory_space<hbm>> -> memref<1x20000xf32, #tpu.memory_space<hbm>>
        %dma_wait3A_63 = tpu.memref_squeeze %dma_wait3A_62 : memref<1x20000xf32, #tpu.memory_space<hbm>> -> memref<20000xf32, #tpu.memory_space<hbm>>
        %dma_wait3A_64 = arith.constant 0 : i32
        %dma_wait3A_65 = tpu.memref_slice %arg2[%add3A_38, %dma_wait3A_64] : memref<80x20000xf32, #tpu.memory_space<hbm>> -> memref<1x20000xf32, #tpu.memory_space<hbm>>
        %dma_wait3A_66 = tpu.memref_squeeze %dma_wait3A_65 : memref<1x20000xf32, #tpu.memory_space<hbm>> -> memref<20000xf32, #tpu.memory_space<hbm>>
        tpu.wait_dma2 semaphore(%run_scoped3A_56 : memref<!tpu.dma_semaphore, #tpu.memory_space<semaphore_mem>>) src(%dma_wait3A_66 : memref<20000xf32, #tpu.memory_space<hbm>>) dst(%arg10 : memref<20000xf32, #tpu.memory_space<vmem>>)
        tpu.yield
      }) : () -> ()
      %get3A = arith.constant 0 : index
      %get3A_39 = tpu.vector_load %arg15[%get3A] {strides = array<i32>} : memref<16xf32, #tpu.memory_space<vmem>>, vector<16xf32>,
      %scan3A = arith.constant 0 : i32
      %scan3A_40 = arith.constant 41 : i32
      %scan3A_41 = arith.addi %scan3A, %scan3A_40 : i32
      %scan3A_42 = arith.constant 1 : i32
      scf.for %scan3A_56 = %scan3A to %scan3A_41 step %scan3A_42  : i32 {
        %mul3A_57 = arith.constant 16 : i32
        %mul3A_58 = arith.muli %scan3A_56, %mul3A_57 : i32
        %add3A_59 = arith.constant 0 : i32
        %add3A_60 = arith.addi %add3A_59, %mul3A_58 : i32
        %swap3A = arith.index_cast %add3A_60 : i32 to index
        %swap3A_61 = tpu.vector_load %arg16[%swap3A] {strides = array<i32>} : memref<656xf32, #tpu.memory_space<vmem>>, vector<16xf32>,
        tpu.vector_store %arg16[%swap3A], %broadcast_in_dim3A_20 {strides = array<i32>} : memref<656xf32, #tpu.memory_space<vmem>>, vector<16xf32>,
        %swap3A_62 = arith.index_cast %add3A_60 : i32 to index
        %swap3A_63 = tpu.vector_load %arg17[%swap3A_62] {strides = array<i32>} : memref<656xi32, #tpu.memory_space<vmem>>, vector<16xi32>,
        tpu.vector_store %arg17[%swap3A_62], %broadcast_in_dim3A_18 {strides = array<i32>} : memref<656xi32, #tpu.memory_space<vmem>>, vector<16xi32>,
      }
      %scan3A_43 = arith.constant 41 : i32
      %scan3A_44 = arith.constant 0 : i32
      %scan3A_45 = arith.constant 0 : i32
      %scan3A_46 = arith.constant 1250 : i32
      %scan3A_47 = arith.addi %scan3A_45, %scan3A_46 : i32
      %scan3A_48 = arith.constant 1 : i32
      %scan3A_49 = scf.for %scan3A_56 = %scan3A_45 to %scan3A_47 step %scan3A_48 iter_args(%scan3A_57 = %scan3A_44) -> (i32)  : i32 {
        %mul3A_58 = arith.constant 16 : i32
        %mul3A_59 = arith.muli %scan3A_56, %mul3A_58 : i32
        %get3A_60 = arith.index_cast %mul3A_59 : i32 to index
        %get3A_61 = tpu.vector_load %arg10[%get3A_60] {strides = array<i32>} : memref<20000xf32, #tpu.memory_space<vmem>>, vector<16xf32>,
        %gt3A = arith.cmpf ogt, %get3A_61, %get3A_39 : vector<16xf32>
        %swap3A = arith.index_cast %scan3A_57 : i32 to index
        %swap3A_62 = tpu.vector_load %arg16[%swap3A] masked %gt3A {strides = array<i32>} : memref<656xf32, #tpu.memory_space<vmem>>, vector<16xf32>, vector<16xi1>
        tpu.vector_store %arg16[%swap3A], %get3A_61 masked %gt3A {strides = array<i32>} : memref<656xf32, #tpu.memory_space<vmem>>, vector<16xf32>, vector<16xi1>
        %mul3A_63 = arith.constant 16 : i32
        %mul3A_64 = arith.muli %scan3A_56, %mul3A_63 : i32
        %add3A_65 = vector.broadcast %mul3A_64 : i32 to vector<16xi32>
        %add3A_66 = arith.addi %iota3A, %add3A_65 : vector<16xi32>
        %swap3A_67 = arith.index_cast %scan3A_57 : i32 to index
        %swap3A_68 = tpu.vector_load %arg17[%swap3A_67] masked %gt3A {strides = array<i32>} : memref<656xi32, #tpu.memory_space<vmem>>, vector<16xi32>, vector<16xi1>
        tpu.vector_store %arg17[%swap3A_67], %add3A_66 masked %gt3A {strides = array<i32>} : memref<656xi32, #tpu.memory_space<vmem>>, vector<16xi32>, vector<16xi1>
        %convert_element_type3A_69 = arith.extui %gt3A : vector<16xi1> to vector<16xi32>
        %reduce_sum3A = arith.constant true
        %reduce_sum3A_70 = vector.broadcast %reduce_sum3A : i1 to vector<16xi1>
        %reduce_sum3A_71 = tpu.scan <sum>, %convert_element_type3A_69 masked %reduce_sum3A_70 : vector<16xi32>, vector<16xi1> -> vector<16xi32>
        %reduce_sum3A_72 = vector.extract %reduce_sum3A_71[15] : i32 from vector<16xi32>
        %add3A_73 = arith.addi %scan3A_57, %reduce_sum3A_72 : i32
        scf.yield %add3A_73 : i32
      }
      %scan3A_50 = arith.constant 1250 : i32
      %scan3A_51 = arith.constant 0 : i32
      %scan3A_52 = arith.constant 40 : i32
      %scan3A_53 = arith.addi %scan3A_51, %scan3A_52 : i32
      %scan3A_54 = arith.constant 1 : i32
      scf.for %scan3A_56 = %scan3A_51 to %scan3A_53 step %scan3A_54  : i32 {
        %mul3A_57 = arith.constant 16 : i32
        %mul3A_58 = arith.muli %scan3A_56, %mul3A_57 : i32
        %add3A_59 = arith.constant 0 : i32
        %add3A_60 = arith.addi %add3A_59, %mul3A_58 : i32
        %get3A_61 = arith.index_cast %add3A_60 : i32 to index
        %get3A_62 = tpu.vector_load %arg17[%get3A_61] {strides = array<i32>} : memref<656xi32, #tpu.memory_space<vmem>>, vector<16xi32>,
        %gather3A = tpu.vector_load_idx %arg11[%get3A_62] : memref<20000xf32, #tpu.memory_space<vmem>>[vector<16xi32>], vector<16xf32>,
        %swap3A = arith.index_cast %add3A_60 : i32 to index
        %swap3A_63 = tpu.vector_load %arg18[%swap3A] {strides = array<i32>} : memref<640xf32, #tpu.memory_space<vmem>>, vector<16xf32>,
        tpu.vector_store %arg18[%swap3A], %gather3A {strides = array<i32>} : memref<640xf32, #tpu.memory_space<vmem>>, vector<16xf32>,
        %gather3A_64 = tpu.vector_load_idx %arg12[%get3A_62] : memref<20000xf32, #tpu.memory_space<vmem>>[vector<16xi32>], vector<16xf32>,
        %swap3A_65 = arith.index_cast %add3A_60 : i32 to index
        %swap3A_66 = tpu.vector_load %arg19[%swap3A_65] {strides = array<i32>} : memref<640xf32, #tpu.memory_space<vmem>>, vector<16xf32>,
        tpu.vector_store %arg19[%swap3A_65], %gather3A_64 {strides = array<i32>} : memref<640xf32, #tpu.memory_space<vmem>>, vector<16xf32>,
        %gather3A_67 = tpu.vector_load_idx %arg13[%get3A_62] : memref<20000xf32, #tpu.memory_space<vmem>>[vector<16xi32>], vector<16xf32>,
        %swap3A_68 = arith.index_cast %add3A_60 : i32 to index
        %swap3A_69 = tpu.vector_load %arg20[%swap3A_68] {strides = array<i32>} : memref<640xf32, #tpu.memory_space<vmem>>, vector<16xf32>,
        tpu.vector_store %arg20[%swap3A_68], %gather3A_67 {strides = array<i32>} : memref<640xf32, #tpu.memory_space<vmem>>, vector<16xf32>,
        %gather3A_70 = tpu.vector_load_idx %arg14[%get3A_62] : memref<20000xf32, #tpu.memory_space<vmem>>[vector<16xi32>], vector<16xf32>,
        %swap3A_71 = arith.index_cast %add3A_60 : i32 to index
        %swap3A_72 = tpu.vector_load %arg21[%swap3A_71] {strides = array<i32>} : memref<640xf32, #tpu.memory_space<vmem>>, vector<16xf32>,
        tpu.vector_store %arg21[%swap3A_71], %gather3A_70 {strides = array<i32>} : memref<640xf32, #tpu.memory_space<vmem>>, vector<16xf32>,
      }
      %scan3A_55 = arith.constant 40 : i32
      "tpu.region"() ({
        %run_scoped3A_56 = tpu.sem_alloc : memref<!tpu.dma_semaphore, #tpu.memory_space<semaphore_mem>>
        %dma_start3A = arith.constant 0 : i32
        %dma_start3A_57 = tpu.memref_slice %arg16[%dma_start3A] : memref<656xf32, #tpu.memory_space<vmem>> -> memref<640xf32, #tpu.memory_space<vmem>>
        %dma_start3A_58 = arith.constant 0 : i32
        %dma_start3A_59 = tpu.memref_slice %arg5[%shift_right_logical3A_1, %add3A_22, %dma_start3A_58] : memref<4x20x640xf32, #tpu.memory_space<hbm>> -> memref<1x1x640xf32, #tpu.memory_space<hbm>>
        %dma_start3A_60 = tpu.memref_squeeze %dma_start3A_59 : memref<1x1x640xf32, #tpu.memory_space<hbm>> -> memref<640xf32, #tpu.memory_space<hbm>>
        %dma_start3A_61 = arith.constant 0 : i32
        %dma_start3A_62 = tpu.memref_slice %arg5[%shift_right_logical3A_1, %add3A_22, %dma_start3A_61] : memref<4x20x640xf32, #tpu.memory_space<hbm>> -> memref<1x1x640xf32, #tpu.memory_space<hbm>>
        %dma_start3A_63 = tpu.memref_squeeze %dma_start3A_62 : memref<1x1x640xf32, #tpu.memory_space<hbm>> -> memref<640xf32, #tpu.memory_space<hbm>>
        %dma_start3A_64 = arith.constant 0 : i32
        %dma_start3A_65 = tpu.memref_slice %arg16[%dma_start3A_64] : memref<656xf32, #tpu.memory_space<vmem>> -> memref<640xf32, #tpu.memory_space<vmem>>
        tpu.enqueue_dma source(%dma_start3A_65 : memref<640xf32, #tpu.memory_space<vmem>>) target(%dma_start3A_63 : memref<640xf32, #tpu.memory_space<hbm>>) target_semaphore(%run_scoped3A_56 : memref<!tpu.dma_semaphore, #tpu.memory_space<semaphore_mem>>)
        %dma_wait3A = arith.constant 0 : i32
        %dma_wait3A_66 = tpu.memref_slice %arg16[%dma_wait3A] : memref<656xf32, #tpu.memory_space<vmem>> -> memref<640xf32, #tpu.memory_space<vmem>>
        %dma_wait3A_67 = arith.constant 0 : i32
        %dma_wait3A_68 = tpu.memref_slice %arg5[%shift_right_logical3A_1, %add3A_22, %dma_wait3A_67] : memref<4x20x640xf32, #tpu.memory_space<hbm>> -> memref<1x1x640xf32, #tpu.memory_space<hbm>>
        %dma_wait3A_69 = tpu.memref_squeeze %dma_wait3A_68 : memref<1x1x640xf32, #tpu.memory_space<hbm>> -> memref<640xf32, #tpu.memory_space<hbm>>
        %dma_wait3A_70 = arith.constant 0 : i32
        %dma_wait3A_71 = tpu.memref_slice %arg5[%shift_right_logical3A_1, %add3A_22, %dma_wait3A_70] : memref<4x20x640xf32, #tpu.memory_space<hbm>> -> memref<1x1x640xf32, #tpu.memory_space<hbm>>
        %dma_wait3A_72 = tpu.memref_squeeze %dma_wait3A_71 : memref<1x1x640xf32, #tpu.memory_space<hbm>> -> memref<640xf32, #tpu.memory_space<hbm>>
        %dma_wait3A_73 = arith.constant 0 : i32
        %dma_wait3A_74 = tpu.memref_slice %arg16[%dma_wait3A_73] : memref<656xf32, #tpu.memory_space<vmem>> -> memref<640xf32, #tpu.memory_space<vmem>>
        tpu.wait_dma2 semaphore(%run_scoped3A_56 : memref<!tpu.dma_semaphore, #tpu.memory_space<semaphore_mem>>) src(%dma_wait3A_74 : memref<640xf32, #tpu.memory_space<vmem>>) dst(%dma_wait3A_72 : memref<640xf32, #tpu.memory_space<hbm>>)
        tpu.yield
      }) : () -> ()
      "tpu.region"() ({
        %run_scoped3A_56 = tpu.sem_alloc : memref<!tpu.dma_semaphore, #tpu.memory_space<semaphore_mem>>
        %dma_start3A = arith.constant 0 : i32
        %dma_start3A_57 = tpu.memref_slice %arg6[%shift_right_logical3A_1, %add3A_22, %dma_start3A] : memref<4x20x640xf32, #tpu.memory_space<hbm>> -> memref<1x1x640xf32, #tpu.memory_space<hbm>>
        %dma_start3A_58 = tpu.memref_squeeze %dma_start3A_57 : memref<1x1x640xf32, #tpu.memory_space<hbm>> -> memref<640xf32, #tpu.memory_space<hbm>>
        %dma_start3A_59 = arith.constant 0 : i32
        %dma_start3A_60 = tpu.memref_slice %arg6[%shift_right_logical3A_1, %add3A_22, %dma_start3A_59] : memref<4x20x640xf32, #tpu.memory_space<hbm>> -> memref<1x1x640xf32, #tpu.memory_space<hbm>>
        %dma_start3A_61 = tpu.memref_squeeze %dma_start3A_60 : memref<1x1x640xf32, #tpu.memory_space<hbm>> -> memref<640xf32, #tpu.memory_space<hbm>>
        tpu.enqueue_dma source(%arg18 : memref<640xf32, #tpu.memory_space<vmem>>) target(%dma_start3A_61 : memref<640xf32, #tpu.memory_space<hbm>>) target_semaphore(%run_scoped3A_56 : memref<!tpu.dma_semaphore, #tpu.memory_space<semaphore_mem>>)
        %dma_wait3A = arith.constant 0 : i32
        %dma_wait3A_62 = tpu.memref_slice %arg6[%shift_right_logical3A_1, %add3A_22, %dma_wait3A] : memref<4x20x640xf32, #tpu.memory_space<hbm>> -> memref<1x1x640xf32, #tpu.memory_space<hbm>>
        %dma_wait3A_63 = tpu.memref_squeeze %dma_wait3A_62 : memref<1x1x640xf32, #tpu.memory_space<hbm>> -> memref<640xf32, #tpu.memory_space<hbm>>
        %dma_wait3A_64 = arith.constant 0 : i32
        %dma_wait3A_65 = tpu.memref_slice %arg6[%shift_right_logical3A_1, %add3A_22, %dma_wait3A_64] : memref<4x20x640xf32, #tpu.memory_space<hbm>> -> memref<1x1x640xf32, #tpu.memory_space<hbm>>
        %dma_wait3A_66 = tpu.memref_squeeze %dma_wait3A_65 : memref<1x1x640xf32, #tpu.memory_space<hbm>> -> memref<640xf32, #tpu.memory_space<hbm>>
        tpu.wait_dma2 semaphore(%run_scoped3A_56 : memref<!tpu.dma_semaphore, #tpu.memory_space<semaphore_mem>>) src(%arg18 : memref<640xf32, #tpu.memory_space<vmem>>) dst(%dma_wait3A_66 : memref<640xf32, #tpu.memory_space<hbm>>)
        tpu.yield
      }) : () -> ()
      "tpu.region"() ({
        %run_scoped3A_56 = tpu.sem_alloc : memref<!tpu.dma_semaphore, #tpu.memory_space<semaphore_mem>>
        %dma_start3A = arith.constant 0 : i32
        %dma_start3A_57 = tpu.memref_slice %arg7[%shift_right_logical3A_1, %add3A_22, %dma_start3A] : memref<4x20x640xf32, #tpu.memory_space<hbm>> -> memref<1x1x640xf32, #tpu.memory_space<hbm>>
        %dma_start3A_58 = tpu.memref_squeeze %dma_start3A_57 : memref<1x1x640xf32, #tpu.memory_space<hbm>> -> memref<640xf32, #tpu.memory_space<hbm>>
        %dma_start3A_59 = arith.constant 0 : i32
        %dma_start3A_60 = tpu.memref_slice %arg7[%shift_right_logical3A_1, %add3A_22, %dma_start3A_59] : memref<4x20x640xf32, #tpu.memory_space<hbm>> -> memref<1x1x640xf32, #tpu.memory_space<hbm>>
        %dma_start3A_61 = tpu.memref_squeeze %dma_start3A_60 : memref<1x1x640xf32, #tpu.memory_space<hbm>> -> memref<640xf32, #tpu.memory_space<hbm>>
        tpu.enqueue_dma source(%arg19 : memref<640xf32, #tpu.memory_space<vmem>>) target(%dma_start3A_61 : memref<640xf32, #tpu.memory_space<hbm>>) target_semaphore(%run_scoped3A_56 : memref<!tpu.dma_semaphore, #tpu.memory_space<semaphore_mem>>)
        %dma_wait3A = arith.constant 0 : i32
        %dma_wait3A_62 = tpu.memref_slice %arg7[%shift_right_logical3A_1, %add3A_22, %dma_wait3A] : memref<4x20x640xf32, #tpu.memory_space<hbm>> -> memref<1x1x640xf32, #tpu.memory_space<hbm>>
        %dma_wait3A_63 = tpu.memref_squeeze %dma_wait3A_62 : memref<1x1x640xf32, #tpu.memory_space<hbm>> -> memref<640xf32, #tpu.memory_space<hbm>>
        %dma_wait3A_64 = arith.constant 0 : i32
        %dma_wait3A_65 = tpu.memref_slice %arg7[%shift_right_logical3A_1, %add3A_22, %dma_wait3A_64] : memref<4x20x640xf32, #tpu.memory_space<hbm>> -> memref<1x1x640xf32, #tpu.memory_space<hbm>>
        %dma_wait3A_66 = tpu.memref_squeeze %dma_wait3A_65 : memref<1x1x640xf32, #tpu.memory_space<hbm>> -> memref<640xf32, #tpu.memory_space<hbm>>
        tpu.wait_dma2 semaphore(%run_scoped3A_56 : memref<!tpu.dma_semaphore, #tpu.memory_space<semaphore_mem>>) src(%arg19 : memref<640xf32, #tpu.memory_space<vmem>>) dst(%dma_wait3A_66 : memref<640xf32, #tpu.memory_space<hbm>>)
        tpu.yield
      }) : () -> ()
      "tpu.region"() ({
        %run_scoped3A_56 = tpu.sem_alloc : memref<!tpu.dma_semaphore, #tpu.memory_space<semaphore_mem>>
        %dma_start3A = arith.constant 0 : i32
        %dma_start3A_57 = tpu.memref_slice %arg8[%shift_right_logical3A_1, %add3A_22, %dma_start3A] : memref<4x20x640xf32, #tpu.memory_space<hbm>> -> memref<1x1x640xf32, #tpu.memory_space<hbm>>
        %dma_start3A_58 = tpu.memref_squeeze %dma_start3A_57 : memref<1x1x640xf32, #tpu.memory_space<hbm>> -> memref<640xf32, #tpu.memory_space<hbm>>
        %dma_start3A_59 = arith.constant 0 : i32
        %dma_start3A_60 = tpu.memref_slice %arg8[%shift_right_logical3A_1, %add3A_22, %dma_start3A_59] : memref<4x20x640xf32, #tpu.memory_space<hbm>> -> memref<1x1x640xf32, #tpu.memory_space<hbm>>
        %dma_start3A_61 = tpu.memref_squeeze %dma_start3A_60 : memref<1x1x640xf32, #tpu.memory_space<hbm>> -> memref<640xf32, #tpu.memory_space<hbm>>
        tpu.enqueue_dma source(%arg20 : memref<640xf32, #tpu.memory_space<vmem>>) target(%dma_start3A_61 : memref<640xf32, #tpu.memory_space<hbm>>) target_semaphore(%run_scoped3A_56 : memref<!tpu.dma_semaphore, #tpu.memory_space<semaphore_mem>>)
        %dma_wait3A = arith.constant 0 : i32
        %dma_wait3A_62 = tpu.memref_slice %arg8[%shift_right_logical3A_1, %add3A_22, %dma_wait3A] : memref<4x20x640xf32, #tpu.memory_space<hbm>> -> memref<1x1x640xf32, #tpu.memory_space<hbm>>
        %dma_wait3A_63 = tpu.memref_squeeze %dma_wait3A_62 : memref<1x1x640xf32, #tpu.memory_space<hbm>> -> memref<640xf32, #tpu.memory_space<hbm>>
        %dma_wait3A_64 = arith.constant 0 : i32
        %dma_wait3A_65 = tpu.memref_slice %arg8[%shift_right_logical3A_1, %add3A_22, %dma_wait3A_64] : memref<4x20x640xf32, #tpu.memory_space<hbm>> -> memref<1x1x640xf32, #tpu.memory_space<hbm>>
        %dma_wait3A_66 = tpu.memref_squeeze %dma_wait3A_65 : memref<1x1x640xf32, #tpu.memory_space<hbm>> -> memref<640xf32, #tpu.memory_space<hbm>>
        tpu.wait_dma2 semaphore(%run_scoped3A_56 : memref<!tpu.dma_semaphore, #tpu.memory_space<semaphore_mem>>) src(%arg20 : memref<640xf32, #tpu.memory_space<vmem>>) dst(%dma_wait3A_66 : memref<640xf32, #tpu.memory_space<hbm>>)
        tpu.yield
      }) : () -> ()
      "tpu.region"() ({
        %run_scoped3A_56 = tpu.sem_alloc : memref<!tpu.dma_semaphore, #tpu.memory_space<semaphore_mem>>
        %dma_start3A = arith.constant 0 : i32
        %dma_start3A_57 = tpu.memref_slice %arg9[%shift_right_logical3A_1, %add3A_22, %dma_start3A] : memref<4x20x640xf32, #tpu.memory_space<hbm>> -> memref<1x1x640xf32, #tpu.memory_space<hbm>>
        %dma_start3A_58 = tpu.memref_squeeze %dma_start3A_57 : memref<1x1x640xf32, #tpu.memory_space<hbm>> -> memref<640xf32, #tpu.memory_space<hbm>>
        %dma_start3A_59 = arith.constant 0 : i32
        %dma_start3A_60 = tpu.memref_slice %arg9[%shift_right_logical3A_1, %add3A_22, %dma_start3A_59] : memref<4x20x640xf32, #tpu.memory_space<hbm>> -> memref<1x1x640xf32, #tpu.memory_space<hbm>>
        %dma_start3A_61 = tpu.memref_squeeze %dma_start3A_60 : memref<1x1x640xf32, #tpu.memory_space<hbm>> -> memref<640xf32, #tpu.memory_space<hbm>>
        tpu.enqueue_dma source(%arg21 : memref<640xf32, #tpu.memory_space<vmem>>) target(%dma_start3A_61 : memref<640xf32, #tpu.memory_space<hbm>>) target_semaphore(%run_scoped3A_56 : memref<!tpu.dma_semaphore, #tpu.memory_space<semaphore_mem>>)
        %dma_wait3A = arith.constant 0 : i32
        %dma_wait3A_62 = tpu.memref_slice %arg9[%shift_right_logical3A_1, %add3A_22, %dma_wait3A] : memref<4x20x640xf32, #tpu.memory_space<hbm>> -> memref<1x1x640xf32, #tpu.memory_space<hbm>>
        %dma_wait3A_63 = tpu.memref_squeeze %dma_wait3A_62 : memref<1x1x640xf32, #tpu.memory_space<hbm>> -> memref<640xf32, #tpu.memory_space<hbm>>
        %dma_wait3A_64 = arith.constant 0 : i32
        %dma_wait3A_65 = tpu.memref_slice %arg9[%shift_right_logical3A_1, %add3A_22, %dma_wait3A_64] : memref<4x20x640xf32, #tpu.memory_space<hbm>> -> memref<1x1x640xf32, #tpu.memory_space<hbm>>
        %dma_wait3A_66 = tpu.memref_squeeze %dma_wait3A_65 : memref<1x1x640xf32, #tpu.memory_space<hbm>> -> memref<640xf32, #tpu.memory_space<hbm>>
        tpu.wait_dma2 semaphore(%run_scoped3A_56 : memref<!tpu.dma_semaphore, #tpu.memory_space<semaphore_mem>>) src(%arg21 : memref<640xf32, #tpu.memory_space<vmem>>) dst(%dma_wait3A_66 : memref<640xf32, #tpu.memory_space<hbm>>)
        tpu.yield
      }) : () -> ()
    } else {
    }
    %add3A_24 = arith.constant 1 : i32
    %add3A_25 = arith.addi %shift_right_logical3A_6, %add3A_24 : i32
    %lt3A_26 = arith.cmpi slt, %add3A_25, %shift_right_logical3A_12 : i32
    %convert_element_type3A_27 = arith.extui %lt3A_26 : i1 to i32
    %cond3A_28 = arith.constant 0 : i32
    %cond3A_29 = arith.cmpi ne, %convert_element_type3A_27, %cond3A_28 : i32
    scf.if %cond3A_29 {
      %mul3A_36 = arith.constant 20 : i32
      %mul3A_37 = arith.muli %shift_right_logical3A_1, %mul3A_36 : i32
      %add3A_38 = arith.addi %mul3A_37, %add3A_25 : i32
      "tpu.region"() ({
        %run_scoped3A_56 = tpu.sem_alloc : memref<!tpu.dma_semaphore, #tpu.memory_space<semaphore_mem>>
        %dma_start3A = arith.constant 0 : i32
        %dma_start3A_57 = tpu.memref_slice %arg3[%add3A_38, %dma_start3A] : memref<80x16xf32, #tpu.memory_space<hbm>> -> memref<1x16xf32, #tpu.memory_space<hbm>>
        %dma_start3A_58 = tpu.memref_squeeze %dma_start3A_57 : memref<1x16xf32, #tpu.memory_space<hbm>> -> memref<16xf32, #tpu.memory_space<hbm>>
        %dma_start3A_59 = arith.constant 0 : i32
        %dma_start3A_60 = tpu.memref_slice %arg3[%add3A_38, %dma_start3A_59] : memref<80x16xf32, #tpu.memory_space<hbm>> -> memref<1x16xf32, #tpu.memory_space<hbm>>
        %dma_start3A_61 = tpu.memref_squeeze %dma_start3A_60 : memref<1x16xf32, #tpu.memory_space<hbm>> -> memref<16xf32, #tpu.memory_space<hbm>>
        tpu.enqueue_dma source(%dma_start3A_61 : memref<16xf32, #tpu.memory_space<hbm>>) target(%arg15 : memref<16xf32, #tpu.memory_space<vmem>>) target_semaphore(%run_scoped3A_56 : memref<!tpu.dma_semaphore, #tpu.memory_space<semaphore_mem>>)
        %dma_wait3A = arith.constant 0 : i32
        %dma_wait3A_62 = tpu.memref_slice %arg3[%add3A_38, %dma_wait3A] : memref<80x16xf32, #tpu.memory_space<hbm>> -> memref<1x16xf32, #tpu.memory_space<hbm>>
        %dma_wait3A_63 = tpu.memref_squeeze %dma_wait3A_62 : memref<1x16xf32, #tpu.memory_space<hbm>> -> memref<16xf32, #tpu.memory_space<hbm>>
        %dma_wait3A_64 = arith.constant 0 : i32
        %dma_wait3A_65 = tpu.memref_slice %arg3[%add3A_38, %dma_wait3A_64] : memref<80x16xf32, #tpu.memory_space<hbm>> -> memref<1x16xf32, #tpu.memory_space<hbm>>
        %dma_wait3A_66 = tpu.memref_squeeze %dma_wait3A_65 : memref<1x16xf32, #tpu.memory_space<hbm>> -> memref<16xf32, #tpu.memory_space<hbm>>
        tpu.wait_dma2 semaphore(%run_scoped3A_56 : memref<!tpu.dma_semaphore, #tpu.memory_space<semaphore_mem>>) src(%dma_wait3A_66 : memref<16xf32, #tpu.memory_space<hbm>>) dst(%arg15 : memref<16xf32, #tpu.memory_space<vmem>>)
        tpu.yield
      }) : () -> ()
      "tpu.region"() ({
        %run_scoped3A_56 = tpu.sem_alloc : memref<!tpu.dma_semaphore, #tpu.memory_space<semaphore_mem>>
        %dma_start3A = arith.constant 0 : i32
        %dma_start3A_57 = tpu.memref_slice %arg2[%add3A_38, %dma_start3A] : memref<80x20000xf32, #tpu.memory_space<hbm>> -> memref<1x20000xf32, #tpu.memory_space<hbm>>
        %dma_start3A_58 = tpu.memref_squeeze %dma_start3A_57 : memref<1x20000xf32, #tpu.memory_space<hbm>> -> memref<20000xf32, #tpu.memory_space<hbm>>
        %dma_start3A_59 = arith.constant 0 : i32
        %dma_start3A_60 = tpu.memref_slice %arg2[%add3A_38, %dma_start3A_59] : memref<80x20000xf32, #tpu.memory_space<hbm>> -> memref<1x20000xf32, #tpu.memory_space<hbm>>
        %dma_start3A_61 = tpu.memref_squeeze %dma_start3A_60 : memref<1x20000xf32, #tpu.memory_space<hbm>> -> memref<20000xf32, #tpu.memory_space<hbm>>
        tpu.enqueue_dma source(%dma_start3A_61 : memref<20000xf32, #tpu.memory_space<hbm>>) target(%arg10 : memref<20000xf32, #tpu.memory_space<vmem>>) target_semaphore(%run_scoped3A_56 : memref<!tpu.dma_semaphore, #tpu.memory_space<semaphore_mem>>)
        %dma_wait3A = arith.constant 0 : i32
        %dma_wait3A_62 = tpu.memref_slice %arg2[%add3A_38, %dma_wait3A] : memref<80x20000xf32, #tpu.memory_space<hbm>> -> memref<1x20000xf32, #tpu.memory_space<hbm>>
        %dma_wait3A_63 = tpu.memref_squeeze %dma_wait3A_62 : memref<1x20000xf32, #tpu.memory_space<hbm>> -> memref<20000xf32, #tpu.memory_space<hbm>>
        %dma_wait3A_64 = arith.constant 0 : i32
        %dma_wait3A_65 = tpu.memref_slice %arg2[%add3A_38, %dma_wait3A_64] : memref<80x20000xf32, #tpu.memory_space<hbm>> -> memref<1x20000xf32, #tpu.memory_space<hbm>>
        %dma_wait3A_66 = tpu.memref_squeeze %dma_wait3A_65 : memref<1x20000xf32, #tpu.memory_space<hbm>> -> memref<20000xf32, #tpu.memory_space<hbm>>
        tpu.wait_dma2 semaphore(%run_scoped3A_56 : memref<!tpu.dma_semaphore, #tpu.memory_space<semaphore_mem>>) src(%dma_wait3A_66 : memref<20000xf32, #tpu.memory_space<hbm>>) dst(%arg10 : memref<20000xf32, #tpu.memory_space<vmem>>)
        tpu.yield
      }) : () -> ()
      %get3A = arith.constant 0 : index
      %get3A_39 = tpu.vector_load %arg15[%get3A] {strides = array<i32>} : memref<16xf32, #tpu.memory_space<vmem>>, vector<16xf32>,
      %scan3A = arith.constant 0 : i32
      %scan3A_40 = arith.constant 41 : i32
      %scan3A_41 = arith.addi %scan3A, %scan3A_40 : i32
      %scan3A_42 = arith.constant 1 : i32
      scf.for %scan3A_56 = %scan3A to %scan3A_41 step %scan3A_42  : i32 {
        %mul3A_57 = arith.constant 16 : i32
        %mul3A_58 = arith.muli %scan3A_56, %mul3A_57 : i32
        %add3A_59 = arith.constant 0 : i32
        %add3A_60 = arith.addi %add3A_59, %mul3A_58 : i32
        %swap3A = arith.index_cast %add3A_60 : i32 to index
        %swap3A_61 = tpu.vector_load %arg16[%swap3A] {strides = array<i32>} : memref<656xf32, #tpu.memory_space<vmem>>, vector<16xf32>,
        tpu.vector_store %arg16[%swap3A], %broadcast_in_dim3A_20 {strides = array<i32>} : memref<656xf32, #tpu.memory_space<vmem>>, vector<16xf32>,
        %swap3A_62 = arith.index_cast %add3A_60 : i32 to index
        %swap3A_63 = tpu.vector_load %arg17[%swap3A_62] {strides = array<i32>} : memref<656xi32, #tpu.memory_space<vmem>>, vector<16xi32>,
        tpu.vector_store %arg17[%swap3A_62], %broadcast_in_dim3A_18 {strides = array<i32>} : memref<656xi32, #tpu.memory_space<vmem>>, vector<16xi32>,
      }
      %scan3A_43 = arith.constant 41 : i32
      %scan3A_44 = arith.constant 0 : i32
      %scan3A_45 = arith.constant 0 : i32
      %scan3A_46 = arith.constant 1250 : i32
      %scan3A_47 = arith.addi %scan3A_45, %scan3A_46 : i32
      %scan3A_48 = arith.constant 1 : i32
      %scan3A_49 = scf.for %scan3A_56 = %scan3A_45 to %scan3A_47 step %scan3A_48 iter_args(%scan3A_57 = %scan3A_44) -> (i32)  : i32 {
        %mul3A_58 = arith.constant 16 : i32
        %mul3A_59 = arith.muli %scan3A_56, %mul3A_58 : i32
        %get3A_60 = arith.index_cast %mul3A_59 : i32 to index
        %get3A_61 = tpu.vector_load %arg10[%get3A_60] {strides = array<i32>} : memref<20000xf32, #tpu.memory_space<vmem>>, vector<16xf32>,
        %gt3A = arith.cmpf ogt, %get3A_61, %get3A_39 : vector<16xf32>
        %swap3A = arith.index_cast %scan3A_57 : i32 to index
        %swap3A_62 = tpu.vector_load %arg16[%swap3A] masked %gt3A {strides = array<i32>} : memref<656xf32, #tpu.memory_space<vmem>>, vector<16xf32>, vector<16xi1>
        tpu.vector_store %arg16[%swap3A], %get3A_61 masked %gt3A {strides = array<i32>} : memref<656xf32, #tpu.memory_space<vmem>>, vector<16xf32>, vector<16xi1>
        %mul3A_63 = arith.constant 16 : i32
        %mul3A_64 = arith.muli %scan3A_56, %mul3A_63 : i32
        %add3A_65 = vector.broadcast %mul3A_64 : i32 to vector<16xi32>
        %add3A_66 = arith.addi %iota3A, %add3A_65 : vector<16xi32>
        %swap3A_67 = arith.index_cast %scan3A_57 : i32 to index
        %swap3A_68 = tpu.vector_load %arg17[%swap3A_67] masked %gt3A {strides = array<i32>} : memref<656xi32, #tpu.memory_space<vmem>>, vector<16xi32>, vector<16xi1>
        tpu.vector_store %arg17[%swap3A_67], %add3A_66 masked %gt3A {strides = array<i32>} : memref<656xi32, #tpu.memory_space<vmem>>, vector<16xi32>, vector<16xi1>
        %convert_element_type3A_69 = arith.extui %gt3A : vector<16xi1> to vector<16xi32>
        %reduce_sum3A = arith.constant true
        %reduce_sum3A_70 = vector.broadcast %reduce_sum3A : i1 to vector<16xi1>
        %reduce_sum3A_71 = tpu.scan <sum>, %convert_element_type3A_69 masked %reduce_sum3A_70 : vector<16xi32>, vector<16xi1> -> vector<16xi32>
        %reduce_sum3A_72 = vector.extract %reduce_sum3A_71[15] : i32 from vector<16xi32>
        %add3A_73 = arith.addi %scan3A_57, %reduce_sum3A_72 : i32
        scf.yield %add3A_73 : i32
      }
      %scan3A_50 = arith.constant 1250 : i32
      %scan3A_51 = arith.constant 0 : i32
      %scan3A_52 = arith.constant 40 : i32
      %scan3A_53 = arith.addi %scan3A_51, %scan3A_52 : i32
      %scan3A_54 = arith.constant 1 : i32
      scf.for %scan3A_56 = %scan3A_51 to %scan3A_53 step %scan3A_54  : i32 {
        %mul3A_57 = arith.constant 16 : i32
        %mul3A_58 = arith.muli %scan3A_56, %mul3A_57 : i32
        %add3A_59 = arith.constant 0 : i32
        %add3A_60 = arith.addi %add3A_59, %mul3A_58 : i32
        %get3A_61 = arith.index_cast %add3A_60 : i32 to index
        %get3A_62 = tpu.vector_load %arg17[%get3A_61] {strides = array<i32>} : memref<656xi32, #tpu.memory_space<vmem>>, vector<16xi32>,
        %gather3A = tpu.vector_load_idx %arg11[%get3A_62] : memref<20000xf32, #tpu.memory_space<vmem>>[vector<16xi32>], vector<16xf32>,
        %swap3A = arith.index_cast %add3A_60 : i32 to index
        %swap3A_63 = tpu.vector_load %arg18[%swap3A] {strides = array<i32>} : memref<640xf32, #tpu.memory_space<vmem>>, vector<16xf32>,
        tpu.vector_store %arg18[%swap3A], %gather3A {strides = array<i32>} : memref<640xf32, #tpu.memory_space<vmem>>, vector<16xf32>,
        %gather3A_64 = tpu.vector_load_idx %arg12[%get3A_62] : memref<20000xf32, #tpu.memory_space<vmem>>[vector<16xi32>], vector<16xf32>,
        %swap3A_65 = arith.index_cast %add3A_60 : i32 to index
        %swap3A_66 = tpu.vector_load %arg19[%swap3A_65] {strides = array<i32>} : memref<640xf32, #tpu.memory_space<vmem>>, vector<16xf32>,
        tpu.vector_store %arg19[%swap3A_65], %gather3A_64 {strides = array<i32>} : memref<640xf32, #tpu.memory_space<vmem>>, vector<16xf32>,
        %gather3A_67 = tpu.vector_load_idx %arg13[%get3A_62] : memref<20000xf32, #tpu.memory_space<vmem>>[vector<16xi32>], vector<16xf32>,
        %swap3A_68 = arith.index_cast %add3A_60 : i32 to index
        %swap3A_69 = tpu.vector_load %arg20[%swap3A_68] {strides = array<i32>} : memref<640xf32, #tpu.memory_space<vmem>>, vector<16xf32>,
        tpu.vector_store %arg20[%swap3A_68], %gather3A_67 {strides = array<i32>} : memref<640xf32, #tpu.memory_space<vmem>>, vector<16xf32>,
        %gather3A_70 = tpu.vector_load_idx %arg14[%get3A_62] : memref<20000xf32, #tpu.memory_space<vmem>>[vector<16xi32>], vector<16xf32>,
        %swap3A_71 = arith.index_cast %add3A_60 : i32 to index
        %swap3A_72 = tpu.vector_load %arg21[%swap3A_71] {strides = array<i32>} : memref<640xf32, #tpu.memory_space<vmem>>, vector<16xf32>,
        tpu.vector_store %arg21[%swap3A_71], %gather3A_70 {strides = array<i32>} : memref<640xf32, #tpu.memory_space<vmem>>, vector<16xf32>,
      }
      %scan3A_55 = arith.constant 40 : i32
      "tpu.region"() ({
        %run_scoped3A_56 = tpu.sem_alloc : memref<!tpu.dma_semaphore, #tpu.memory_space<semaphore_mem>>
        %dma_start3A = arith.constant 0 : i32
        %dma_start3A_57 = tpu.memref_slice %arg16[%dma_start3A] : memref<656xf32, #tpu.memory_space<vmem>> -> memref<640xf32, #tpu.memory_space<vmem>>
        %dma_start3A_58 = arith.constant 0 : i32
        %dma_start3A_59 = tpu.memref_slice %arg5[%shift_right_logical3A_1, %add3A_25, %dma_start3A_58] : memref<4x20x640xf32, #tpu.memory_space<hbm>> -> memref<1x1x640xf32, #tpu.memory_space<hbm>>
        %dma_start3A_60 = tpu.memref_squeeze %dma_start3A_59 : memref<1x1x640xf32, #tpu.memory_space<hbm>> -> memref<640xf32, #tpu.memory_space<hbm>>
        %dma_start3A_61 = arith.constant 0 : i32
        %dma_start3A_62 = tpu.memref_slice %arg5[%shift_right_logical3A_1, %add3A_25, %dma_start3A_61] : memref<4x20x640xf32, #tpu.memory_space<hbm>> -> memref<1x1x640xf32, #tpu.memory_space<hbm>>
        %dma_start3A_63 = tpu.memref_squeeze %dma_start3A_62 : memref<1x1x640xf32, #tpu.memory_space<hbm>> -> memref<640xf32, #tpu.memory_space<hbm>>
        %dma_start3A_64 = arith.constant 0 : i32
        %dma_start3A_65 = tpu.memref_slice %arg16[%dma_start3A_64] : memref<656xf32, #tpu.memory_space<vmem>> -> memref<640xf32, #tpu.memory_space<vmem>>
        tpu.enqueue_dma source(%dma_start3A_65 : memref<640xf32, #tpu.memory_space<vmem>>) target(%dma_start3A_63 : memref<640xf32, #tpu.memory_space<hbm>>) target_semaphore(%run_scoped3A_56 : memref<!tpu.dma_semaphore, #tpu.memory_space<semaphore_mem>>)
        %dma_wait3A = arith.constant 0 : i32
        %dma_wait3A_66 = tpu.memref_slice %arg16[%dma_wait3A] : memref<656xf32, #tpu.memory_space<vmem>> -> memref<640xf32, #tpu.memory_space<vmem>>
        %dma_wait3A_67 = arith.constant 0 : i32
        %dma_wait3A_68 = tpu.memref_slice %arg5[%shift_right_logical3A_1, %add3A_25, %dma_wait3A_67] : memref<4x20x640xf32, #tpu.memory_space<hbm>> -> memref<1x1x640xf32, #tpu.memory_space<hbm>>
        %dma_wait3A_69 = tpu.memref_squeeze %dma_wait3A_68 : memref<1x1x640xf32, #tpu.memory_space<hbm>> -> memref<640xf32, #tpu.memory_space<hbm>>
        %dma_wait3A_70 = arith.constant 0 : i32
        %dma_wait3A_71 = tpu.memref_slice %arg5[%shift_right_logical3A_1, %add3A_25, %dma_wait3A_70] : memref<4x20x640xf32, #tpu.memory_space<hbm>> -> memref<1x1x640xf32, #tpu.memory_space<hbm>>
        %dma_wait3A_72 = tpu.memref_squeeze %dma_wait3A_71 : memref<1x1x640xf32, #tpu.memory_space<hbm>> -> memref<640xf32, #tpu.memory_space<hbm>>
        %dma_wait3A_73 = arith.constant 0 : i32
        %dma_wait3A_74 = tpu.memref_slice %arg16[%dma_wait3A_73] : memref<656xf32, #tpu.memory_space<vmem>> -> memref<640xf32, #tpu.memory_space<vmem>>
        tpu.wait_dma2 semaphore(%run_scoped3A_56 : memref<!tpu.dma_semaphore, #tpu.memory_space<semaphore_mem>>) src(%dma_wait3A_74 : memref<640xf32, #tpu.memory_space<vmem>>) dst(%dma_wait3A_72 : memref<640xf32, #tpu.memory_space<hbm>>)
        tpu.yield
      }) : () -> ()
      "tpu.region"() ({
        %run_scoped3A_56 = tpu.sem_alloc : memref<!tpu.dma_semaphore, #tpu.memory_space<semaphore_mem>>
        %dma_start3A = arith.constant 0 : i32
        %dma_start3A_57 = tpu.memref_slice %arg6[%shift_right_logical3A_1, %add3A_25, %dma_start3A] : memref<4x20x640xf32, #tpu.memory_space<hbm>> -> memref<1x1x640xf32, #tpu.memory_space<hbm>>
        %dma_start3A_58 = tpu.memref_squeeze %dma_start3A_57 : memref<1x1x640xf32, #tpu.memory_space<hbm>> -> memref<640xf32, #tpu.memory_space<hbm>>
        %dma_start3A_59 = arith.constant 0 : i32
        %dma_start3A_60 = tpu.memref_slice %arg6[%shift_right_logical3A_1, %add3A_25, %dma_start3A_59] : memref<4x20x640xf32, #tpu.memory_space<hbm>> -> memref<1x1x640xf32, #tpu.memory_space<hbm>>
        %dma_start3A_61 = tpu.memref_squeeze %dma_start3A_60 : memref<1x1x640xf32, #tpu.memory_space<hbm>> -> memref<640xf32, #tpu.memory_space<hbm>>
        tpu.enqueue_dma source(%arg18 : memref<640xf32, #tpu.memory_space<vmem>>) target(%dma_start3A_61 : memref<640xf32, #tpu.memory_space<hbm>>) target_semaphore(%run_scoped3A_56 : memref<!tpu.dma_semaphore, #tpu.memory_space<semaphore_mem>>)
        %dma_wait3A = arith.constant 0 : i32
        %dma_wait3A_62 = tpu.memref_slice %arg6[%shift_right_logical3A_1, %add3A_25, %dma_wait3A] : memref<4x20x640xf32, #tpu.memory_space<hbm>> -> memref<1x1x640xf32, #tpu.memory_space<hbm>>
        %dma_wait3A_63 = tpu.memref_squeeze %dma_wait3A_62 : memref<1x1x640xf32, #tpu.memory_space<hbm>> -> memref<640xf32, #tpu.memory_space<hbm>>
        %dma_wait3A_64 = arith.constant 0 : i32
        %dma_wait3A_65 = tpu.memref_slice %arg6[%shift_right_logical3A_1, %add3A_25, %dma_wait3A_64] : memref<4x20x640xf32, #tpu.memory_space<hbm>> -> memref<1x1x640xf32, #tpu.memory_space<hbm>>
        %dma_wait3A_66 = tpu.memref_squeeze %dma_wait3A_65 : memref<1x1x640xf32, #tpu.memory_space<hbm>> -> memref<640xf32, #tpu.memory_space<hbm>>
        tpu.wait_dma2 semaphore(%run_scoped3A_56 : memref<!tpu.dma_semaphore, #tpu.memory_space<semaphore_mem>>) src(%arg18 : memref<640xf32, #tpu.memory_space<vmem>>) dst(%dma_wait3A_66 : memref<640xf32, #tpu.memory_space<hbm>>)
        tpu.yield
      }) : () -> ()
      "tpu.region"() ({
        %run_scoped3A_56 = tpu.sem_alloc : memref<!tpu.dma_semaphore, #tpu.memory_space<semaphore_mem>>
        %dma_start3A = arith.constant 0 : i32
        %dma_start3A_57 = tpu.memref_slice %arg7[%shift_right_logical3A_1, %add3A_25, %dma_start3A] : memref<4x20x640xf32, #tpu.memory_space<hbm>> -> memref<1x1x640xf32, #tpu.memory_space<hbm>>
        %dma_start3A_58 = tpu.memref_squeeze %dma_start3A_57 : memref<1x1x640xf32, #tpu.memory_space<hbm>> -> memref<640xf32, #tpu.memory_space<hbm>>
        %dma_start3A_59 = arith.constant 0 : i32
        %dma_start3A_60 = tpu.memref_slice %arg7[%shift_right_logical3A_1, %add3A_25, %dma_start3A_59] : memref<4x20x640xf32, #tpu.memory_space<hbm>> -> memref<1x1x640xf32, #tpu.memory_space<hbm>>
        %dma_start3A_61 = tpu.memref_squeeze %dma_start3A_60 : memref<1x1x640xf32, #tpu.memory_space<hbm>> -> memref<640xf32, #tpu.memory_space<hbm>>
        tpu.enqueue_dma source(%arg19 : memref<640xf32, #tpu.memory_space<vmem>>) target(%dma_start3A_61 : memref<640xf32, #tpu.memory_space<hbm>>) target_semaphore(%run_scoped3A_56 : memref<!tpu.dma_semaphore, #tpu.memory_space<semaphore_mem>>)
        %dma_wait3A = arith.constant 0 : i32
        %dma_wait3A_62 = tpu.memref_slice %arg7[%shift_right_logical3A_1, %add3A_25, %dma_wait3A] : memref<4x20x640xf32, #tpu.memory_space<hbm>> -> memref<1x1x640xf32, #tpu.memory_space<hbm>>
        %dma_wait3A_63 = tpu.memref_squeeze %dma_wait3A_62 : memref<1x1x640xf32, #tpu.memory_space<hbm>> -> memref<640xf32, #tpu.memory_space<hbm>>
        %dma_wait3A_64 = arith.constant 0 : i32
        %dma_wait3A_65 = tpu.memref_slice %arg7[%shift_right_logical3A_1, %add3A_25, %dma_wait3A_64] : memref<4x20x640xf32, #tpu.memory_space<hbm>> -> memref<1x1x640xf32, #tpu.memory_space<hbm>>
        %dma_wait3A_66 = tpu.memref_squeeze %dma_wait3A_65 : memref<1x1x640xf32, #tpu.memory_space<hbm>> -> memref<640xf32, #tpu.memory_space<hbm>>
        tpu.wait_dma2 semaphore(%run_scoped3A_56 : memref<!tpu.dma_semaphore, #tpu.memory_space<semaphore_mem>>) src(%arg19 : memref<640xf32, #tpu.memory_space<vmem>>) dst(%dma_wait3A_66 : memref<640xf32, #tpu.memory_space<hbm>>)
        tpu.yield
      }) : () -> ()
      "tpu.region"() ({
        %run_scoped3A_56 = tpu.sem_alloc : memref<!tpu.dma_semaphore, #tpu.memory_space<semaphore_mem>>
        %dma_start3A = arith.constant 0 : i32
        %dma_start3A_57 = tpu.memref_slice %arg8[%shift_right_logical3A_1, %add3A_25, %dma_start3A] : memref<4x20x640xf32, #tpu.memory_space<hbm>> -> memref<1x1x640xf32, #tpu.memory_space<hbm>>
        %dma_start3A_58 = tpu.memref_squeeze %dma_start3A_57 : memref<1x1x640xf32, #tpu.memory_space<hbm>> -> memref<640xf32, #tpu.memory_space<hbm>>
        %dma_start3A_59 = arith.constant 0 : i32
        %dma_start3A_60 = tpu.memref_slice %arg8[%shift_right_logical3A_1, %add3A_25, %dma_start3A_59] : memref<4x20x640xf32, #tpu.memory_space<hbm>> -> memref<1x1x640xf32, #tpu.memory_space<hbm>>
        %dma_start3A_61 = tpu.memref_squeeze %dma_start3A_60 : memref<1x1x640xf32, #tpu.memory_space<hbm>> -> memref<640xf32, #tpu.memory_space<hbm>>
        tpu.enqueue_dma source(%arg20 : memref<640xf32, #tpu.memory_space<vmem>>) target(%dma_start3A_61 : memref<640xf32, #tpu.memory_space<hbm>>) target_semaphore(%run_scoped3A_56 : memref<!tpu.dma_semaphore, #tpu.memory_space<semaphore_mem>>)
        %dma_wait3A = arith.constant 0 : i32
        %dma_wait3A_62 = tpu.memref_slice %arg8[%shift_right_logical3A_1, %add3A_25, %dma_wait3A] : memref<4x20x640xf32, #tpu.memory_space<hbm>> -> memref<1x1x640xf32, #tpu.memory_space<hbm>>
        %dma_wait3A_63 = tpu.memref_squeeze %dma_wait3A_62 : memref<1x1x640xf32, #tpu.memory_space<hbm>> -> memref<640xf32, #tpu.memory_space<hbm>>
        %dma_wait3A_64 = arith.constant 0 : i32
        %dma_wait3A_65 = tpu.memref_slice %arg8[%shift_right_logical3A_1, %add3A_25, %dma_wait3A_64] : memref<4x20x640xf32, #tpu.memory_space<hbm>> -> memref<1x1x640xf32, #tpu.memory_space<hbm>>
        %dma_wait3A_66 = tpu.memref_squeeze %dma_wait3A_65 : memref<1x1x640xf32, #tpu.memory_space<hbm>> -> memref<640xf32, #tpu.memory_space<hbm>>
        tpu.wait_dma2 semaphore(%run_scoped3A_56 : memref<!tpu.dma_semaphore, #tpu.memory_space<semaphore_mem>>) src(%arg20 : memref<640xf32, #tpu.memory_space<vmem>>) dst(%dma_wait3A_66 : memref<640xf32, #tpu.memory_space<hbm>>)
        tpu.yield
      }) : () -> ()
      "tpu.region"() ({
        %run_scoped3A_56 = tpu.sem_alloc : memref<!tpu.dma_semaphore, #tpu.memory_space<semaphore_mem>>
        %dma_start3A = arith.constant 0 : i32
        %dma_start3A_57 = tpu.memref_slice %arg9[%shift_right_logical3A_1, %add3A_25, %dma_start3A] : memref<4x20x640xf32, #tpu.memory_space<hbm>> -> memref<1x1x640xf32, #tpu.memory_space<hbm>>
        %dma_start3A_58 = tpu.memref_squeeze %dma_start3A_57 : memref<1x1x640xf32, #tpu.memory_space<hbm>> -> memref<640xf32, #tpu.memory_space<hbm>>
        %dma_start3A_59 = arith.constant 0 : i32
        %dma_start3A_60 = tpu.memref_slice %arg9[%shift_right_logical3A_1, %add3A_25, %dma_start3A_59] : memref<4x20x640xf32, #tpu.memory_space<hbm>> -> memref<1x1x640xf32, #tpu.memory_space<hbm>>
        %dma_start3A_61 = tpu.memref_squeeze %dma_start3A_60 : memref<1x1x640xf32, #tpu.memory_space<hbm>> -> memref<640xf32, #tpu.memory_space<hbm>>
        tpu.enqueue_dma source(%arg21 : memref<640xf32, #tpu.memory_space<vmem>>) target(%dma_start3A_61 : memref<640xf32, #tpu.memory_space<hbm>>) target_semaphore(%run_scoped3A_56 : memref<!tpu.dma_semaphore, #tpu.memory_space<semaphore_mem>>)
        %dma_wait3A = arith.constant 0 : i32
        %dma_wait3A_62 = tpu.memref_slice %arg9[%shift_right_logical3A_1, %add3A_25, %dma_wait3A] : memref<4x20x640xf32, #tpu.memory_space<hbm>> -> memref<1x1x640xf32, #tpu.memory_space<hbm>>
        %dma_wait3A_63 = tpu.memref_squeeze %dma_wait3A_62 : memref<1x1x640xf32, #tpu.memory_space<hbm>> -> memref<640xf32, #tpu.memory_space<hbm>>
        %dma_wait3A_64 = arith.constant 0 : i32
        %dma_wait3A_65 = tpu.memref_slice %arg9[%shift_right_logical3A_1, %add3A_25, %dma_wait3A_64] : memref<4x20x640xf32, #tpu.memory_space<hbm>> -> memref<1x1x640xf32, #tpu.memory_space<hbm>>
        %dma_wait3A_66 = tpu.memref_squeeze %dma_wait3A_65 : memref<1x1x640xf32, #tpu.memory_space<hbm>> -> memref<640xf32, #tpu.memory_space<hbm>>
        tpu.wait_dma2 semaphore(%run_scoped3A_56 : memref<!tpu.dma_semaphore, #tpu.memory_space<semaphore_mem>>) src(%arg21 : memref<640xf32, #tpu.memory_space<vmem>>) dst(%dma_wait3A_66 : memref<640xf32, #tpu.memory_space<hbm>>)
        tpu.yield
      }) : () -> ()
    } else {
    }
    %add3A_30 = arith.constant 2 : i32
    %add3A_31 = arith.addi %shift_right_logical3A_6, %add3A_30 : i32
    %lt3A_32 = arith.cmpi slt, %add3A_31, %shift_right_logical3A_12 : i32
    %convert_element_type3A_33 = arith.extui %lt3A_32 : i1 to i32
    %cond3A_34 = arith.constant 0 : i32
    %cond3A_35 = arith.cmpi ne, %convert_element_type3A_33, %cond3A_34 : i32
    scf.if %cond3A_35 {
      %mul3A_36 = arith.constant 20 : i32
      %mul3A_37 = arith.muli %shift_right_logical3A_1, %mul3A_36 : i32
      %add3A_38 = arith.addi %mul3A_37, %add3A_31 : i32
      "tpu.region"() ({
        %run_scoped3A_56 = tpu.sem_alloc : memref<!tpu.dma_semaphore, #tpu.memory_space<semaphore_mem>>
        %dma_start3A = arith.constant 0 : i32
        %dma_start3A_57 = tpu.memref_slice %arg3[%add3A_38, %dma_start3A] : memref<80x16xf32, #tpu.memory_space<hbm>> -> memref<1x16xf32, #tpu.memory_space<hbm>>
        %dma_start3A_58 = tpu.memref_squeeze %dma_start3A_57 : memref<1x16xf32, #tpu.memory_space<hbm>> -> memref<16xf32, #tpu.memory_space<hbm>>
        %dma_start3A_59 = arith.constant 0 : i32
        %dma_start3A_60 = tpu.memref_slice %arg3[%add3A_38, %dma_start3A_59] : memref<80x16xf32, #tpu.memory_space<hbm>> -> memref<1x16xf32, #tpu.memory_space<hbm>>
        %dma_start3A_61 = tpu.memref_squeeze %dma_start3A_60 : memref<1x16xf32, #tpu.memory_space<hbm>> -> memref<16xf32, #tpu.memory_space<hbm>>
        tpu.enqueue_dma source(%dma_start3A_61 : memref<16xf32, #tpu.memory_space<hbm>>) target(%arg15 : memref<16xf32, #tpu.memory_space<vmem>>) target_semaphore(%run_scoped3A_56 : memref<!tpu.dma_semaphore, #tpu.memory_space<semaphore_mem>>)
        %dma_wait3A = arith.constant 0 : i32
        %dma_wait3A_62 = tpu.memref_slice %arg3[%add3A_38, %dma_wait3A] : memref<80x16xf32, #tpu.memory_space<hbm>> -> memref<1x16xf32, #tpu.memory_space<hbm>>
        %dma_wait3A_63 = tpu.memref_squeeze %dma_wait3A_62 : memref<1x16xf32, #tpu.memory_space<hbm>> -> memref<16xf32, #tpu.memory_space<hbm>>
        %dma_wait3A_64 = arith.constant 0 : i32
        %dma_wait3A_65 = tpu.memref_slice %arg3[%add3A_38, %dma_wait3A_64] : memref<80x16xf32, #tpu.memory_space<hbm>> -> memref<1x16xf32, #tpu.memory_space<hbm>>
        %dma_wait3A_66 = tpu.memref_squeeze %dma_wait3A_65 : memref<1x16xf32, #tpu.memory_space<hbm>> -> memref<16xf32, #tpu.memory_space<hbm>>
        tpu.wait_dma2 semaphore(%run_scoped3A_56 : memref<!tpu.dma_semaphore, #tpu.memory_space<semaphore_mem>>) src(%dma_wait3A_66 : memref<16xf32, #tpu.memory_space<hbm>>) dst(%arg15 : memref<16xf32, #tpu.memory_space<vmem>>)
        tpu.yield
      }) : () -> ()
      "tpu.region"() ({
        %run_scoped3A_56 = tpu.sem_alloc : memref<!tpu.dma_semaphore, #tpu.memory_space<semaphore_mem>>
        %dma_start3A = arith.constant 0 : i32
        %dma_start3A_57 = tpu.memref_slice %arg2[%add3A_38, %dma_start3A] : memref<80x20000xf32, #tpu.memory_space<hbm>> -> memref<1x20000xf32, #tpu.memory_space<hbm>>
        %dma_start3A_58 = tpu.memref_squeeze %dma_start3A_57 : memref<1x20000xf32, #tpu.memory_space<hbm>> -> memref<20000xf32, #tpu.memory_space<hbm>>
        %dma_start3A_59 = arith.constant 0 : i32
        %dma_start3A_60 = tpu.memref_slice %arg2[%add3A_38, %dma_start3A_59] : memref<80x20000xf32, #tpu.memory_space<hbm>> -> memref<1x20000xf32, #tpu.memory_space<hbm>>
        %dma_start3A_61 = tpu.memref_squeeze %dma_start3A_60 : memref<1x20000xf32, #tpu.memory_space<hbm>> -> memref<20000xf32, #tpu.memory_space<hbm>>
        tpu.enqueue_dma source(%dma_start3A_61 : memref<20000xf32, #tpu.memory_space<hbm>>) target(%arg10 : memref<20000xf32, #tpu.memory_space<vmem>>) target_semaphore(%run_scoped3A_56 : memref<!tpu.dma_semaphore, #tpu.memory_space<semaphore_mem>>)
        %dma_wait3A = arith.constant 0 : i32
        %dma_wait3A_62 = tpu.memref_slice %arg2[%add3A_38, %dma_wait3A] : memref<80x20000xf32, #tpu.memory_space<hbm>> -> memref<1x20000xf32, #tpu.memory_space<hbm>>
        %dma_wait3A_63 = tpu.memref_squeeze %dma_wait3A_62 : memref<1x20000xf32, #tpu.memory_space<hbm>> -> memref<20000xf32, #tpu.memory_space<hbm>>
        %dma_wait3A_64 = arith.constant 0 : i32
        %dma_wait3A_65 = tpu.memref_slice %arg2[%add3A_38, %dma_wait3A_64] : memref<80x20000xf32, #tpu.memory_space<hbm>> -> memref<1x20000xf32, #tpu.memory_space<hbm>>
        %dma_wait3A_66 = tpu.memref_squeeze %dma_wait3A_65 : memref<1x20000xf32, #tpu.memory_space<hbm>> -> memref<20000xf32, #tpu.memory_space<hbm>>
        tpu.wait_dma2 semaphore(%run_scoped3A_56 : memref<!tpu.dma_semaphore, #tpu.memory_space<semaphore_mem>>) src(%dma_wait3A_66 : memref<20000xf32, #tpu.memory_space<hbm>>) dst(%arg10 : memref<20000xf32, #tpu.memory_space<vmem>>)
        tpu.yield
      }) : () -> ()
      %get3A = arith.constant 0 : index
      %get3A_39 = tpu.vector_load %arg15[%get3A] {strides = array<i32>} : memref<16xf32, #tpu.memory_space<vmem>>, vector<16xf32>,
      %scan3A = arith.constant 0 : i32
      %scan3A_40 = arith.constant 41 : i32
      %scan3A_41 = arith.addi %scan3A, %scan3A_40 : i32
      %scan3A_42 = arith.constant 1 : i32
      scf.for %scan3A_56 = %scan3A to %scan3A_41 step %scan3A_42  : i32 {
        %mul3A_57 = arith.constant 16 : i32
        %mul3A_58 = arith.muli %scan3A_56, %mul3A_57 : i32
        %add3A_59 = arith.constant 0 : i32
        %add3A_60 = arith.addi %add3A_59, %mul3A_58 : i32
        %swap3A = arith.index_cast %add3A_60 : i32 to index
        %swap3A_61 = tpu.vector_load %arg16[%swap3A] {strides = array<i32>} : memref<656xf32, #tpu.memory_space<vmem>>, vector<16xf32>,
        tpu.vector_store %arg16[%swap3A], %broadcast_in_dim3A_20 {strides = array<i32>} : memref<656xf32, #tpu.memory_space<vmem>>, vector<16xf32>,
        %swap3A_62 = arith.index_cast %add3A_60 : i32 to index
        %swap3A_63 = tpu.vector_load %arg17[%swap3A_62] {strides = array<i32>} : memref<656xi32, #tpu.memory_space<vmem>>, vector<16xi32>,
        tpu.vector_store %arg17[%swap3A_62], %broadcast_in_dim3A_18 {strides = array<i32>} : memref<656xi32, #tpu.memory_space<vmem>>, vector<16xi32>,
      }
      %scan3A_43 = arith.constant 41 : i32
      %scan3A_44 = arith.constant 0 : i32
      %scan3A_45 = arith.constant 0 : i32
      %scan3A_46 = arith.constant 1250 : i32
      %scan3A_47 = arith.addi %scan3A_45, %scan3A_46 : i32
      %scan3A_48 = arith.constant 1 : i32
      %scan3A_49 = scf.for %scan3A_56 = %scan3A_45 to %scan3A_47 step %scan3A_48 iter_args(%scan3A_57 = %scan3A_44) -> (i32)  : i32 {
        %mul3A_58 = arith.constant 16 : i32
        %mul3A_59 = arith.muli %scan3A_56, %mul3A_58 : i32
        %get3A_60 = arith.index_cast %mul3A_59 : i32 to index
        %get3A_61 = tpu.vector_load %arg10[%get3A_60] {strides = array<i32>} : memref<20000xf32, #tpu.memory_space<vmem>>, vector<16xf32>,
        %gt3A = arith.cmpf ogt, %get3A_61, %get3A_39 : vector<16xf32>
        %swap3A = arith.index_cast %scan3A_57 : i32 to index
        %swap3A_62 = tpu.vector_load %arg16[%swap3A] masked %gt3A {strides = array<i32>} : memref<656xf32, #tpu.memory_space<vmem>>, vector<16xf32>, vector<16xi1>
        tpu.vector_store %arg16[%swap3A], %get3A_61 masked %gt3A {strides = array<i32>} : memref<656xf32, #tpu.memory_space<vmem>>, vector<16xf32>, vector<16xi1>
        %mul3A_63 = arith.constant 16 : i32
        %mul3A_64 = arith.muli %scan3A_56, %mul3A_63 : i32
        %add3A_65 = vector.broadcast %mul3A_64 : i32 to vector<16xi32>
        %add3A_66 = arith.addi %iota3A, %add3A_65 : vector<16xi32>
        %swap3A_67 = arith.index_cast %scan3A_57 : i32 to index
        %swap3A_68 = tpu.vector_load %arg17[%swap3A_67] masked %gt3A {strides = array<i32>} : memref<656xi32, #tpu.memory_space<vmem>>, vector<16xi32>, vector<16xi1>
        tpu.vector_store %arg17[%swap3A_67], %add3A_66 masked %gt3A {strides = array<i32>} : memref<656xi32, #tpu.memory_space<vmem>>, vector<16xi32>, vector<16xi1>
        %convert_element_type3A_69 = arith.extui %gt3A : vector<16xi1> to vector<16xi32>
        %reduce_sum3A = arith.constant true
        %reduce_sum3A_70 = vector.broadcast %reduce_sum3A : i1 to vector<16xi1>
        %reduce_sum3A_71 = tpu.scan <sum>, %convert_element_type3A_69 masked %reduce_sum3A_70 : vector<16xi32>, vector<16xi1> -> vector<16xi32>
        %reduce_sum3A_72 = vector.extract %reduce_sum3A_71[15] : i32 from vector<16xi32>
        %add3A_73 = arith.addi %scan3A_57, %reduce_sum3A_72 : i32
        scf.yield %add3A_73 : i32
      }
      %scan3A_50 = arith.constant 1250 : i32
      %scan3A_51 = arith.constant 0 : i32
      %scan3A_52 = arith.constant 40 : i32
      %scan3A_53 = arith.addi %scan3A_51, %scan3A_52 : i32
      %scan3A_54 = arith.constant 1 : i32
      scf.for %scan3A_56 = %scan3A_51 to %scan3A_53 step %scan3A_54  : i32 {
        %mul3A_57 = arith.constant 16 : i32
        %mul3A_58 = arith.muli %scan3A_56, %mul3A_57 : i32
        %add3A_59 = arith.constant 0 : i32
        %add3A_60 = arith.addi %add3A_59, %mul3A_58 : i32
        %get3A_61 = arith.index_cast %add3A_60 : i32 to index
        %get3A_62 = tpu.vector_load %arg17[%get3A_61] {strides = array<i32>} : memref<656xi32, #tpu.memory_space<vmem>>, vector<16xi32>,
        %gather3A = tpu.vector_load_idx %arg11[%get3A_62] : memref<20000xf32, #tpu.memory_space<vmem>>[vector<16xi32>], vector<16xf32>,
        %swap3A = arith.index_cast %add3A_60 : i32 to index
        %swap3A_63 = tpu.vector_load %arg18[%swap3A] {strides = array<i32>} : memref<640xf32, #tpu.memory_space<vmem>>, vector<16xf32>,
        tpu.vector_store %arg18[%swap3A], %gather3A {strides = array<i32>} : memref<640xf32, #tpu.memory_space<vmem>>, vector<16xf32>,
        %gather3A_64 = tpu.vector_load_idx %arg12[%get3A_62] : memref<20000xf32, #tpu.memory_space<vmem>>[vector<16xi32>], vector<16xf32>,
        %swap3A_65 = arith.index_cast %add3A_60 : i32 to index
        %swap3A_66 = tpu.vector_load %arg19[%swap3A_65] {strides = array<i32>} : memref<640xf32, #tpu.memory_space<vmem>>, vector<16xf32>,
        tpu.vector_store %arg19[%swap3A_65], %gather3A_64 {strides = array<i32>} : memref<640xf32, #tpu.memory_space<vmem>>, vector<16xf32>,
        %gather3A_67 = tpu.vector_load_idx %arg13[%get3A_62] : memref<20000xf32, #tpu.memory_space<vmem>>[vector<16xi32>], vector<16xf32>,
        %swap3A_68 = arith.index_cast %add3A_60 : i32 to index
        %swap3A_69 = tpu.vector_load %arg20[%swap3A_68] {strides = array<i32>} : memref<640xf32, #tpu.memory_space<vmem>>, vector<16xf32>,
        tpu.vector_store %arg20[%swap3A_68], %gather3A_67 {strides = array<i32>} : memref<640xf32, #tpu.memory_space<vmem>>, vector<16xf32>,
        %gather3A_70 = tpu.vector_load_idx %arg14[%get3A_62] : memref<20000xf32, #tpu.memory_space<vmem>>[vector<16xi32>], vector<16xf32>,
        %swap3A_71 = arith.index_cast %add3A_60 : i32 to index
        %swap3A_72 = tpu.vector_load %arg21[%swap3A_71] {strides = array<i32>} : memref<640xf32, #tpu.memory_space<vmem>>, vector<16xf32>,
        tpu.vector_store %arg21[%swap3A_71], %gather3A_70 {strides = array<i32>} : memref<640xf32, #tpu.memory_space<vmem>>, vector<16xf32>,
      }
      %scan3A_55 = arith.constant 40 : i32
      "tpu.region"() ({
        %run_scoped3A_56 = tpu.sem_alloc : memref<!tpu.dma_semaphore, #tpu.memory_space<semaphore_mem>>
        %dma_start3A = arith.constant 0 : i32
        %dma_start3A_57 = tpu.memref_slice %arg16[%dma_start3A] : memref<656xf32, #tpu.memory_space<vmem>> -> memref<640xf32, #tpu.memory_space<vmem>>
        %dma_start3A_58 = arith.constant 0 : i32
        %dma_start3A_59 = tpu.memref_slice %arg5[%shift_right_logical3A_1, %add3A_31, %dma_start3A_58] : memref<4x20x640xf32, #tpu.memory_space<hbm>> -> memref<1x1x640xf32, #tpu.memory_space<hbm>>
        %dma_start3A_60 = tpu.memref_squeeze %dma_start3A_59 : memref<1x1x640xf32, #tpu.memory_space<hbm>> -> memref<640xf32, #tpu.memory_space<hbm>>
        %dma_start3A_61 = arith.constant 0 : i32
        %dma_start3A_62 = tpu.memref_slice %arg5[%shift_right_logical3A_1, %add3A_31, %dma_start3A_61] : memref<4x20x640xf32, #tpu.memory_space<hbm>> -> memref<1x1x640xf32, #tpu.memory_space<hbm>>
        %dma_start3A_63 = tpu.memref_squeeze %dma_start3A_62 : memref<1x1x640xf32, #tpu.memory_space<hbm>> -> memref<640xf32, #tpu.memory_space<hbm>>
        %dma_start3A_64 = arith.constant 0 : i32
        %dma_start3A_65 = tpu.memref_slice %arg16[%dma_start3A_64] : memref<656xf32, #tpu.memory_space<vmem>> -> memref<640xf32, #tpu.memory_space<vmem>>
        tpu.enqueue_dma source(%dma_start3A_65 : memref<640xf32, #tpu.memory_space<vmem>>) target(%dma_start3A_63 : memref<640xf32, #tpu.memory_space<hbm>>) target_semaphore(%run_scoped3A_56 : memref<!tpu.dma_semaphore, #tpu.memory_space<semaphore_mem>>)
        %dma_wait3A = arith.constant 0 : i32
        %dma_wait3A_66 = tpu.memref_slice %arg16[%dma_wait3A] : memref<656xf32, #tpu.memory_space<vmem>> -> memref<640xf32, #tpu.memory_space<vmem>>
        %dma_wait3A_67 = arith.constant 0 : i32
        %dma_wait3A_68 = tpu.memref_slice %arg5[%shift_right_logical3A_1, %add3A_31, %dma_wait3A_67] : memref<4x20x640xf32, #tpu.memory_space<hbm>> -> memref<1x1x640xf32, #tpu.memory_space<hbm>>
        %dma_wait3A_69 = tpu.memref_squeeze %dma_wait3A_68 : memref<1x1x640xf32, #tpu.memory_space<hbm>> -> memref<640xf32, #tpu.memory_space<hbm>>
        %dma_wait3A_70 = arith.constant 0 : i32
        %dma_wait3A_71 = tpu.memref_slice %arg5[%shift_right_logical3A_1, %add3A_31, %dma_wait3A_70] : memref<4x20x640xf32, #tpu.memory_space<hbm>> -> memref<1x1x640xf32, #tpu.memory_space<hbm>>
        %dma_wait3A_72 = tpu.memref_squeeze %dma_wait3A_71 : memref<1x1x640xf32, #tpu.memory_space<hbm>> -> memref<640xf32, #tpu.memory_space<hbm>>
        %dma_wait3A_73 = arith.constant 0 : i32
        %dma_wait3A_74 = tpu.memref_slice %arg16[%dma_wait3A_73] : memref<656xf32, #tpu.memory_space<vmem>> -> memref<640xf32, #tpu.memory_space<vmem>>
        tpu.wait_dma2 semaphore(%run_scoped3A_56 : memref<!tpu.dma_semaphore, #tpu.memory_space<semaphore_mem>>) src(%dma_wait3A_74 : memref<640xf32, #tpu.memory_space<vmem>>) dst(%dma_wait3A_72 : memref<640xf32, #tpu.memory_space<hbm>>)
        tpu.yield
      }) : () -> ()
      "tpu.region"() ({
        %run_scoped3A_56 = tpu.sem_alloc : memref<!tpu.dma_semaphore, #tpu.memory_space<semaphore_mem>>
        %dma_start3A = arith.constant 0 : i32
        %dma_start3A_57 = tpu.memref_slice %arg6[%shift_right_logical3A_1, %add3A_31, %dma_start3A] : memref<4x20x640xf32, #tpu.memory_space<hbm>> -> memref<1x1x640xf32, #tpu.memory_space<hbm>>
        %dma_start3A_58 = tpu.memref_squeeze %dma_start3A_57 : memref<1x1x640xf32, #tpu.memory_space<hbm>> -> memref<640xf32, #tpu.memory_space<hbm>>
        %dma_start3A_59 = arith.constant 0 : i32
        %dma_start3A_60 = tpu.memref_slice %arg6[%shift_right_logical3A_1, %add3A_31, %dma_start3A_59] : memref<4x20x640xf32, #tpu.memory_space<hbm>> -> memref<1x1x640xf32, #tpu.memory_space<hbm>>
        %dma_start3A_61 = tpu.memref_squeeze %dma_start3A_60 : memref<1x1x640xf32, #tpu.memory_space<hbm>> -> memref<640xf32, #tpu.memory_space<hbm>>
        tpu.enqueue_dma source(%arg18 : memref<640xf32, #tpu.memory_space<vmem>>) target(%dma_start3A_61 : memref<640xf32, #tpu.memory_space<hbm>>) target_semaphore(%run_scoped3A_56 : memref<!tpu.dma_semaphore, #tpu.memory_space<semaphore_mem>>)
        %dma_wait3A = arith.constant 0 : i32
        %dma_wait3A_62 = tpu.memref_slice %arg6[%shift_right_logical3A_1, %add3A_31, %dma_wait3A] : memref<4x20x640xf32, #tpu.memory_space<hbm>> -> memref<1x1x640xf32, #tpu.memory_space<hbm>>
        %dma_wait3A_63 = tpu.memref_squeeze %dma_wait3A_62 : memref<1x1x640xf32, #tpu.memory_space<hbm>> -> memref<640xf32, #tpu.memory_space<hbm>>
        %dma_wait3A_64 = arith.constant 0 : i32
        %dma_wait3A_65 = tpu.memref_slice %arg6[%shift_right_logical3A_1, %add3A_31, %dma_wait3A_64] : memref<4x20x640xf32, #tpu.memory_space<hbm>> -> memref<1x1x640xf32, #tpu.memory_space<hbm>>
        %dma_wait3A_66 = tpu.memref_squeeze %dma_wait3A_65 : memref<1x1x640xf32, #tpu.memory_space<hbm>> -> memref<640xf32, #tpu.memory_space<hbm>>
        tpu.wait_dma2 semaphore(%run_scoped3A_56 : memref<!tpu.dma_semaphore, #tpu.memory_space<semaphore_mem>>) src(%arg18 : memref<640xf32, #tpu.memory_space<vmem>>) dst(%dma_wait3A_66 : memref<640xf32, #tpu.memory_space<hbm>>)
        tpu.yield
      }) : () -> ()
      "tpu.region"() ({
        %run_scoped3A_56 = tpu.sem_alloc : memref<!tpu.dma_semaphore, #tpu.memory_space<semaphore_mem>>
        %dma_start3A = arith.constant 0 : i32
        %dma_start3A_57 = tpu.memref_slice %arg7[%shift_right_logical3A_1, %add3A_31, %dma_start3A] : memref<4x20x640xf32, #tpu.memory_space<hbm>> -> memref<1x1x640xf32, #tpu.memory_space<hbm>>
        %dma_start3A_58 = tpu.memref_squeeze %dma_start3A_57 : memref<1x1x640xf32, #tpu.memory_space<hbm>> -> memref<640xf32, #tpu.memory_space<hbm>>
        %dma_start3A_59 = arith.constant 0 : i32
        %dma_start3A_60 = tpu.memref_slice %arg7[%shift_right_logical3A_1, %add3A_31, %dma_start3A_59] : memref<4x20x640xf32, #tpu.memory_space<hbm>> -> memref<1x1x640xf32, #tpu.memory_space<hbm>>
        %dma_start3A_61 = tpu.memref_squeeze %dma_start3A_60 : memref<1x1x640xf32, #tpu.memory_space<hbm>> -> memref<640xf32, #tpu.memory_space<hbm>>
        tpu.enqueue_dma source(%arg19 : memref<640xf32, #tpu.memory_space<vmem>>) target(%dma_start3A_61 : memref<640xf32, #tpu.memory_space<hbm>>) target_semaphore(%run_scoped3A_56 : memref<!tpu.dma_semaphore, #tpu.memory_space<semaphore_mem>>)
        %dma_wait3A = arith.constant 0 : i32
        %dma_wait3A_62 = tpu.memref_slice %arg7[%shift_right_logical3A_1, %add3A_31, %dma_wait3A] : memref<4x20x640xf32, #tpu.memory_space<hbm>> -> memref<1x1x640xf32, #tpu.memory_space<hbm>>
        %dma_wait3A_63 = tpu.memref_squeeze %dma_wait3A_62 : memref<1x1x640xf32, #tpu.memory_space<hbm>> -> memref<640xf32, #tpu.memory_space<hbm>>
        %dma_wait3A_64 = arith.constant 0 : i32
        %dma_wait3A_65 = tpu.memref_slice %arg7[%shift_right_logical3A_1, %add3A_31, %dma_wait3A_64] : memref<4x20x640xf32, #tpu.memory_space<hbm>> -> memref<1x1x640xf32, #tpu.memory_space<hbm>>
        %dma_wait3A_66 = tpu.memref_squeeze %dma_wait3A_65 : memref<1x1x640xf32, #tpu.memory_space<hbm>> -> memref<640xf32, #tpu.memory_space<hbm>>
        tpu.wait_dma2 semaphore(%run_scoped3A_56 : memref<!tpu.dma_semaphore, #tpu.memory_space<semaphore_mem>>) src(%arg19 : memref<640xf32, #tpu.memory_space<vmem>>) dst(%dma_wait3A_66 : memref<640xf32, #tpu.memory_space<hbm>>)
        tpu.yield
      }) : () -> ()
      "tpu.region"() ({
        %run_scoped3A_56 = tpu.sem_alloc : memref<!tpu.dma_semaphore, #tpu.memory_space<semaphore_mem>>
        %dma_start3A = arith.constant 0 : i32
        %dma_start3A_57 = tpu.memref_slice %arg8[%shift_right_logical3A_1, %add3A_31, %dma_start3A] : memref<4x20x640xf32, #tpu.memory_space<hbm>> -> memref<1x1x640xf32, #tpu.memory_space<hbm>>
        %dma_start3A_58 = tpu.memref_squeeze %dma_start3A_57 : memref<1x1x640xf32, #tpu.memory_space<hbm>> -> memref<640xf32, #tpu.memory_space<hbm>>
        %dma_start3A_59 = arith.constant 0 : i32
        %dma_start3A_60 = tpu.memref_slice %arg8[%shift_right_logical3A_1, %add3A_31, %dma_start3A_59] : memref<4x20x640xf32, #tpu.memory_space<hbm>> -> memref<1x1x640xf32, #tpu.memory_space<hbm>>
        %dma_start3A_61 = tpu.memref_squeeze %dma_start3A_60 : memref<1x1x640xf32, #tpu.memory_space<hbm>> -> memref<640xf32, #tpu.memory_space<hbm>>
        tpu.enqueue_dma source(%arg20 : memref<640xf32, #tpu.memory_space<vmem>>) target(%dma_start3A_61 : memref<640xf32, #tpu.memory_space<hbm>>) target_semaphore(%run_scoped3A_56 : memref<!tpu.dma_semaphore, #tpu.memory_space<semaphore_mem>>)
        %dma_wait3A = arith.constant 0 : i32
        %dma_wait3A_62 = tpu.memref_slice %arg8[%shift_right_logical3A_1, %add3A_31, %dma_wait3A] : memref<4x20x640xf32, #tpu.memory_space<hbm>> -> memref<1x1x640xf32, #tpu.memory_space<hbm>>
        %dma_wait3A_63 = tpu.memref_squeeze %dma_wait3A_62 : memref<1x1x640xf32, #tpu.memory_space<hbm>> -> memref<640xf32, #tpu.memory_space<hbm>>
        %dma_wait3A_64 = arith.constant 0 : i32
        %dma_wait3A_65 = tpu.memref_slice %arg8[%shift_right_logical3A_1, %add3A_31, %dma_wait3A_64] : memref<4x20x640xf32, #tpu.memory_space<hbm>> -> memref<1x1x640xf32, #tpu.memory_space<hbm>>
        %dma_wait3A_66 = tpu.memref_squeeze %dma_wait3A_65 : memref<1x1x640xf32, #tpu.memory_space<hbm>> -> memref<640xf32, #tpu.memory_space<hbm>>
        tpu.wait_dma2 semaphore(%run_scoped3A_56 : memref<!tpu.dma_semaphore, #tpu.memory_space<semaphore_mem>>) src(%arg20 : memref<640xf32, #tpu.memory_space<vmem>>) dst(%dma_wait3A_66 : memref<640xf32, #tpu.memory_space<hbm>>)
        tpu.yield
      }) : () -> ()
      "tpu.region"() ({
        %run_scoped3A_56 = tpu.sem_alloc : memref<!tpu.dma_semaphore, #tpu.memory_space<semaphore_mem>>
        %dma_start3A = arith.constant 0 : i32
        %dma_start3A_57 = tpu.memref_slice %arg9[%shift_right_logical3A_1, %add3A_31, %dma_start3A] : memref<4x20x640xf32, #tpu.memory_space<hbm>> -> memref<1x1x640xf32, #tpu.memory_space<hbm>>
        %dma_start3A_58 = tpu.memref_squeeze %dma_start3A_57 : memref<1x1x640xf32, #tpu.memory_space<hbm>> -> memref<640xf32, #tpu.memory_space<hbm>>
        %dma_start3A_59 = arith.constant 0 : i32
        %dma_start3A_60 = tpu.memref_slice %arg9[%shift_right_logical3A_1, %add3A_31, %dma_start3A_59] : memref<4x20x640xf32, #tpu.memory_space<hbm>> -> memref<1x1x640xf32, #tpu.memory_space<hbm>>
        %dma_start3A_61 = tpu.memref_squeeze %dma_start3A_60 : memref<1x1x640xf32, #tpu.memory_space<hbm>> -> memref<640xf32, #tpu.memory_space<hbm>>
        tpu.enqueue_dma source(%arg21 : memref<640xf32, #tpu.memory_space<vmem>>) target(%dma_start3A_61 : memref<640xf32, #tpu.memory_space<hbm>>) target_semaphore(%run_scoped3A_56 : memref<!tpu.dma_semaphore, #tpu.memory_space<semaphore_mem>>)
        %dma_wait3A = arith.constant 0 : i32
        %dma_wait3A_62 = tpu.memref_slice %arg9[%shift_right_logical3A_1, %add3A_31, %dma_wait3A] : memref<4x20x640xf32, #tpu.memory_space<hbm>> -> memref<1x1x640xf32, #tpu.memory_space<hbm>>
        %dma_wait3A_63 = tpu.memref_squeeze %dma_wait3A_62 : memref<1x1x640xf32, #tpu.memory_space<hbm>> -> memref<640xf32, #tpu.memory_space<hbm>>
        %dma_wait3A_64 = arith.constant 0 : i32
        %dma_wait3A_65 = tpu.memref_slice %arg9[%shift_right_logical3A_1, %add3A_31, %dma_wait3A_64] : memref<4x20x640xf32, #tpu.memory_space<hbm>> -> memref<1x1x640xf32, #tpu.memory_space<hbm>>
        %dma_wait3A_66 = tpu.memref_squeeze %dma_wait3A_65 : memref<1x1x640xf32, #tpu.memory_space<hbm>> -> memref<640xf32, #tpu.memory_space<hbm>>
        tpu.wait_dma2 semaphore(%run_scoped3A_56 : memref<!tpu.dma_semaphore, #tpu.memory_space<semaphore_mem>>) src(%arg21 : memref<640xf32, #tpu.memory_space<vmem>>) dst(%dma_wait3A_66 : memref<640xf32, #tpu.memory_space<hbm>>)
        tpu.yield
      }) : () -> ()
    } else {
    }
    return
  }
}

module attributes {stable_mosaic.version = 14 : i64} {
  func.func @_prep_body(%arg0: memref<80x20000xf32, #tpu.memory_space<vmem>>, %arg1: memref<4x12x20000xf32, #tpu.memory_space<vmem>>, %arg2: memref<80x16xf32, #tpu.memory_space<vmem>>, %arg3: memref<4x4x20000xf32, #tpu.memory_space<vmem>>) attributes {dimension_semantics = [], scalar_prefetch = 0 : i64, scratch_operands = 0 : i64, tpu.core_type = #tpu.core_type<tc>} {
    %get3A = arith.constant 0 : index
    %get3A_0 = arith.constant 0 : index
    %get3A_1 = vector.load %arg0[%get3A, %get3A_0] : memref<80x20000xf32, #tpu.memory_space<vmem>>, vector<80x20000xf32>
    %get3A_2 = arith.constant 0 : index
    %get3A_3 = arith.constant 0 : index
    %get3A_4 = arith.constant 0 : index
    %get3A_5 = vector.load %arg1[%get3A_2, %get3A_3, %get3A_4] : memref<4x12x20000xf32, #tpu.memory_space<vmem>>, vector<1x1x20000xf32>
    %get3A_6 = vector.shape_cast %get3A_5 : vector<1x1x20000xf32> to vector<20000xf32>
    %broadcast_in_dim3A = vector.shape_cast %get3A_6 : vector<20000xf32> to vector<1x20000xf32>
    %get3A_7 = arith.constant 0 : index
    %get3A_8 = arith.constant 8 : index
    %get3A_9 = arith.constant 0 : index
    %get3A_10 = vector.load %arg1[%get3A_7, %get3A_8, %get3A_9] : memref<4x12x20000xf32, #tpu.memory_space<vmem>>, vector<1x1x20000xf32>
    %get3A_11 = vector.shape_cast %get3A_10 : vector<1x1x20000xf32> to vector<20000xf32>
    %broadcast_in_dim3A_12 = vector.shape_cast %get3A_11 : vector<20000xf32> to vector<1x20000xf32>
    %mul3A = arith.mulf %broadcast_in_dim3A, %broadcast_in_dim3A_12 : vector<1x20000xf32>
    %get3A_13 = arith.constant 0 : index
    %get3A_14 = arith.constant 6 : index
    %get3A_15 = arith.constant 0 : index
    %get3A_16 = vector.load %arg1[%get3A_13, %get3A_14, %get3A_15] : memref<4x12x20000xf32, #tpu.memory_space<vmem>>, vector<1x1x20000xf32>
    %get3A_17 = vector.shape_cast %get3A_16 : vector<1x1x20000xf32> to vector<20000xf32>
    %broadcast_in_dim3A_18 = vector.shape_cast %get3A_17 : vector<20000xf32> to vector<1x20000xf32>
    %mul3A_19 = arith.mulf %mul3A, %broadcast_in_dim3A_18 : vector<1x20000xf32>
    %get3A_20 = arith.constant 0 : index
    %get3A_21 = arith.constant 4 : index
    %get3A_22 = arith.constant 0 : index
    %get3A_23 = vector.load %arg1[%get3A_20, %get3A_21, %get3A_22] : memref<4x12x20000xf32, #tpu.memory_space<vmem>>, vector<1x1x20000xf32>
    %get3A_24 = vector.shape_cast %get3A_23 : vector<1x1x20000xf32> to vector<20000xf32>
    %broadcast_in_dim3A_25 = vector.shape_cast %get3A_24 : vector<20000xf32> to vector<1x20000xf32>
    %add3A = arith.addf %mul3A_19, %broadcast_in_dim3A_25 : vector<1x20000xf32>
    %get3A_26 = arith.constant 0 : index
    %get3A_27 = arith.constant 1 : index
    %get3A_28 = arith.constant 0 : index
    %get3A_29 = vector.load %arg1[%get3A_26, %get3A_27, %get3A_28] : memref<4x12x20000xf32, #tpu.memory_space<vmem>>, vector<1x1x20000xf32>
    %get3A_30 = vector.shape_cast %get3A_29 : vector<1x1x20000xf32> to vector<20000xf32>
    %broadcast_in_dim3A_31 = vector.shape_cast %get3A_30 : vector<20000xf32> to vector<1x20000xf32>
    %get3A_32 = arith.constant 0 : index
    %get3A_33 = arith.constant 9 : index
    %get3A_34 = arith.constant 0 : index
    %get3A_35 = vector.load %arg1[%get3A_32, %get3A_33, %get3A_34] : memref<4x12x20000xf32, #tpu.memory_space<vmem>>, vector<1x1x20000xf32>
    %get3A_36 = vector.shape_cast %get3A_35 : vector<1x1x20000xf32> to vector<20000xf32>
    %broadcast_in_dim3A_37 = vector.shape_cast %get3A_36 : vector<20000xf32> to vector<1x20000xf32>
    %mul3A_38 = arith.mulf %broadcast_in_dim3A_31, %broadcast_in_dim3A_37 : vector<1x20000xf32>
    %get3A_39 = arith.constant 0 : index
    %get3A_40 = arith.constant 7 : index
    %get3A_41 = arith.constant 0 : index
    %get3A_42 = vector.load %arg1[%get3A_39, %get3A_40, %get3A_41] : memref<4x12x20000xf32, #tpu.memory_space<vmem>>, vector<1x1x20000xf32>
    %get3A_43 = vector.shape_cast %get3A_42 : vector<1x1x20000xf32> to vector<20000xf32>
    %broadcast_in_dim3A_44 = vector.shape_cast %get3A_43 : vector<20000xf32> to vector<1x20000xf32>
    %mul3A_45 = arith.mulf %mul3A_38, %broadcast_in_dim3A_44 : vector<1x20000xf32>
    %get3A_46 = arith.constant 0 : index
    %get3A_47 = arith.constant 5 : index
    %get3A_48 = arith.constant 0 : index
    %get3A_49 = vector.load %arg1[%get3A_46, %get3A_47, %get3A_48] : memref<4x12x20000xf32, #tpu.memory_space<vmem>>, vector<1x1x20000xf32>
    %get3A_50 = vector.shape_cast %get3A_49 : vector<1x1x20000xf32> to vector<20000xf32>
    %broadcast_in_dim3A_51 = vector.shape_cast %get3A_50 : vector<20000xf32> to vector<1x20000xf32>
    %add3A_52 = arith.addf %mul3A_45, %broadcast_in_dim3A_51 : vector<1x20000xf32>
    %get3A_53 = arith.constant 0 : index
    %get3A_54 = arith.constant 2 : index
    %get3A_55 = arith.constant 0 : index
    %get3A_56 = vector.load %arg1[%get3A_53, %get3A_54, %get3A_55] : memref<4x12x20000xf32, #tpu.memory_space<vmem>>, vector<1x1x20000xf32>
    %get3A_57 = vector.shape_cast %get3A_56 : vector<1x1x20000xf32> to vector<20000xf32>
    %broadcast_in_dim3A_58 = vector.shape_cast %get3A_57 : vector<20000xf32> to vector<1x20000xf32>
    %get3A_59 = arith.constant 0 : index
    %get3A_60 = arith.constant 10 : index
    %get3A_61 = arith.constant 0 : index
    %get3A_62 = vector.load %arg1[%get3A_59, %get3A_60, %get3A_61] : memref<4x12x20000xf32, #tpu.memory_space<vmem>>, vector<1x1x20000xf32>
    %get3A_63 = vector.shape_cast %get3A_62 : vector<1x1x20000xf32> to vector<20000xf32>
    %broadcast_in_dim3A_64 = vector.shape_cast %get3A_63 : vector<20000xf32> to vector<1x20000xf32>
    %mul3A_65 = arith.mulf %broadcast_in_dim3A_58, %broadcast_in_dim3A_64 : vector<1x20000xf32>
    %exp3A = math.exp %mul3A_65 : vector<1x20000xf32>
    %get3A_66 = arith.constant 0 : index
    %get3A_67 = arith.constant 6 : index
    %get3A_68 = arith.constant 0 : index
    %get3A_69 = vector.load %arg1[%get3A_66, %get3A_67, %get3A_68] : memref<4x12x20000xf32, #tpu.memory_space<vmem>>, vector<1x1x20000xf32>
    %get3A_70 = vector.shape_cast %get3A_69 : vector<1x1x20000xf32> to vector<20000xf32>
    %broadcast_in_dim3A_71 = vector.shape_cast %get3A_70 : vector<20000xf32> to vector<1x20000xf32>
    %mul3A_72 = arith.mulf %exp3A, %broadcast_in_dim3A_71 : vector<1x20000xf32>
    %get3A_73 = arith.constant 0 : index
    %get3A_74 = arith.constant 3 : index
    %get3A_75 = arith.constant 0 : index
    %get3A_76 = vector.load %arg1[%get3A_73, %get3A_74, %get3A_75] : memref<4x12x20000xf32, #tpu.memory_space<vmem>>, vector<1x1x20000xf32>
    %get3A_77 = vector.shape_cast %get3A_76 : vector<1x1x20000xf32> to vector<20000xf32>
    %broadcast_in_dim3A_78 = vector.shape_cast %get3A_77 : vector<20000xf32> to vector<1x20000xf32>
    %get3A_79 = arith.constant 0 : index
    %get3A_80 = arith.constant 11 : index
    %get3A_81 = arith.constant 0 : index
    %get3A_82 = vector.load %arg1[%get3A_79, %get3A_80, %get3A_81] : memref<4x12x20000xf32, #tpu.memory_space<vmem>>, vector<1x1x20000xf32>
    %get3A_83 = vector.shape_cast %get3A_82 : vector<1x1x20000xf32> to vector<20000xf32>
    %broadcast_in_dim3A_84 = vector.shape_cast %get3A_83 : vector<20000xf32> to vector<1x20000xf32>
    %mul3A_85 = arith.mulf %broadcast_in_dim3A_78, %broadcast_in_dim3A_84 : vector<1x20000xf32>
    %exp3A_86 = math.exp %mul3A_85 : vector<1x20000xf32>
    %get3A_87 = arith.constant 0 : index
    %get3A_88 = arith.constant 7 : index
    %get3A_89 = arith.constant 0 : index
    %get3A_90 = vector.load %arg1[%get3A_87, %get3A_88, %get3A_89] : memref<4x12x20000xf32, #tpu.memory_space<vmem>>, vector<1x1x20000xf32>
    %get3A_91 = vector.shape_cast %get3A_90 : vector<1x1x20000xf32> to vector<20000xf32>
    %broadcast_in_dim3A_92 = vector.shape_cast %get3A_91 : vector<20000xf32> to vector<1x20000xf32>
    %mul3A_93 = arith.mulf %exp3A_86, %broadcast_in_dim3A_92 : vector<1x20000xf32>
    %mul3A_94 = arith.constant 5.000000e-01 : f32
    %mul3A_95 = vector.broadcast %mul3A_94 : f32 to vector<1x20000xf32>
    %mul3A_96 = arith.mulf %mul3A_95, %mul3A_72 : vector<1x20000xf32>
    %sub3A = arith.subf %add3A, %mul3A_96 : vector<1x20000xf32>
    %mul3A_97 = arith.constant 5.120000e+02 : f32
    %mul3A_98 = vector.broadcast %mul3A_97 : f32 to vector<1x20000xf32>
    %mul3A_99 = arith.mulf %sub3A, %mul3A_98 : vector<1x20000xf32>
    %mul3A_100 = arith.constant 5.000000e-01 : f32
    %mul3A_101 = vector.broadcast %mul3A_100 : f32 to vector<1x20000xf32>
    %mul3A_102 = arith.mulf %mul3A_101, %mul3A_93 : vector<1x20000xf32>
    %sub3A_103 = arith.subf %add3A_52, %mul3A_102 : vector<1x20000xf32>
    %mul3A_104 = arith.constant 5.120000e+02 : f32
    %mul3A_105 = vector.broadcast %mul3A_104 : f32 to vector<1x20000xf32>
    %mul3A_106 = arith.mulf %sub3A_103, %mul3A_105 : vector<1x20000xf32>
    %mul3A_107 = arith.constant 5.000000e-01 : f32
    %mul3A_108 = vector.broadcast %mul3A_107 : f32 to vector<1x20000xf32>
    %mul3A_109 = arith.mulf %mul3A_108, %mul3A_72 : vector<1x20000xf32>
    %add3A_110 = arith.addf %add3A, %mul3A_109 : vector<1x20000xf32>
    %mul3A_111 = arith.constant 5.120000e+02 : f32
    %mul3A_112 = vector.broadcast %mul3A_111 : f32 to vector<1x20000xf32>
    %mul3A_113 = arith.mulf %add3A_110, %mul3A_112 : vector<1x20000xf32>
    %mul3A_114 = arith.constant 5.000000e-01 : f32
    %mul3A_115 = vector.broadcast %mul3A_114 : f32 to vector<1x20000xf32>
    %mul3A_116 = arith.mulf %mul3A_115, %mul3A_93 : vector<1x20000xf32>
    %add3A_117 = arith.addf %add3A_52, %mul3A_116 : vector<1x20000xf32>
    %mul3A_118 = arith.constant 5.120000e+02 : f32
    %mul3A_119 = vector.broadcast %mul3A_118 : f32 to vector<1x20000xf32>
    %mul3A_120 = arith.mulf %add3A_117, %mul3A_119 : vector<1x20000xf32>
    %concatenate3A = tpu.concatenate %mul3A_99, %mul3A_106, %mul3A_113, %mul3A_120 in 0 : vector<1x20000xf32>, vector<1x20000xf32>, vector<1x20000xf32>, vector<1x20000xf32> -> vector<4x20000xf32>
    %swap3A = arith.constant 0 : index
    %swap3A_121 = arith.constant 0 : index
    %swap3A_122 = arith.constant 0 : index
    %swap3A_123 = vector.load %arg3[%swap3A, %swap3A_121, %swap3A_122] : memref<4x4x20000xf32, #tpu.memory_space<vmem>>, vector<1x4x20000xf32>
    %swap3A_124 = vector.shape_cast %swap3A_123 : vector<1x4x20000xf32> to vector<4x20000xf32>
    %swap3A_125 = vector.shape_cast %concatenate3A : vector<4x20000xf32> to vector<1x4x20000xf32>
    tpu.vector_store %arg3[%swap3A, %swap3A_121, %swap3A_122], %swap3A_125 {strides = array<i32>} : memref<4x4x20000xf32, #tpu.memory_space<vmem>>, vector<1x4x20000xf32>,
    %get3A_126 = arith.constant 1 : index
    %get3A_127 = arith.constant 0 : index
    %get3A_128 = arith.constant 0 : index
    %get3A_129 = vector.load %arg1[%get3A_126, %get3A_127, %get3A_128] : memref<4x12x20000xf32, #tpu.memory_space<vmem>>, vector<1x1x20000xf32>
    %get3A_130 = vector.shape_cast %get3A_129 : vector<1x1x20000xf32> to vector<20000xf32>
    %broadcast_in_dim3A_131 = vector.shape_cast %get3A_130 : vector<20000xf32> to vector<1x20000xf32>
    %get3A_132 = arith.constant 1 : index
    %get3A_133 = arith.constant 8 : index
    %get3A_134 = arith.constant 0 : index
    %get3A_135 = vector.load %arg1[%get3A_132, %get3A_133, %get3A_134] : memref<4x12x20000xf32, #tpu.memory_space<vmem>>, vector<1x1x20000xf32>
    %get3A_136 = vector.shape_cast %get3A_135 : vector<1x1x20000xf32> to vector<20000xf32>
    %broadcast_in_dim3A_137 = vector.shape_cast %get3A_136 : vector<20000xf32> to vector<1x20000xf32>
    %mul3A_138 = arith.mulf %broadcast_in_dim3A_131, %broadcast_in_dim3A_137 : vector<1x20000xf32>
    %get3A_139 = arith.constant 1 : index
    %get3A_140 = arith.constant 6 : index
    %get3A_141 = arith.constant 0 : index
    %get3A_142 = vector.load %arg1[%get3A_139, %get3A_140, %get3A_141] : memref<4x12x20000xf32, #tpu.memory_space<vmem>>, vector<1x1x20000xf32>
    %get3A_143 = vector.shape_cast %get3A_142 : vector<1x1x20000xf32> to vector<20000xf32>
    %broadcast_in_dim3A_144 = vector.shape_cast %get3A_143 : vector<20000xf32> to vector<1x20000xf32>
    %mul3A_145 = arith.mulf %mul3A_138, %broadcast_in_dim3A_144 : vector<1x20000xf32>
    %get3A_146 = arith.constant 1 : index
    %get3A_147 = arith.constant 4 : index
    %get3A_148 = arith.constant 0 : index
    %get3A_149 = vector.load %arg1[%get3A_146, %get3A_147, %get3A_148] : memref<4x12x20000xf32, #tpu.memory_space<vmem>>, vector<1x1x20000xf32>
    %get3A_150 = vector.shape_cast %get3A_149 : vector<1x1x20000xf32> to vector<20000xf32>
    %broadcast_in_dim3A_151 = vector.shape_cast %get3A_150 : vector<20000xf32> to vector<1x20000xf32>
    %add3A_152 = arith.addf %mul3A_145, %broadcast_in_dim3A_151 : vector<1x20000xf32>
    %get3A_153 = arith.constant 1 : index
    %get3A_154 = arith.constant 1 : index
    %get3A_155 = arith.constant 0 : index
    %get3A_156 = vector.load %arg1[%get3A_153, %get3A_154, %get3A_155] : memref<4x12x20000xf32, #tpu.memory_space<vmem>>, vector<1x1x20000xf32>
    %get3A_157 = vector.shape_cast %get3A_156 : vector<1x1x20000xf32> to vector<20000xf32>
    %broadcast_in_dim3A_158 = vector.shape_cast %get3A_157 : vector<20000xf32> to vector<1x20000xf32>
    %get3A_159 = arith.constant 1 : index
    %get3A_160 = arith.constant 9 : index
    %get3A_161 = arith.constant 0 : index
    %get3A_162 = vector.load %arg1[%get3A_159, %get3A_160, %get3A_161] : memref<4x12x20000xf32, #tpu.memory_space<vmem>>, vector<1x1x20000xf32>
    %get3A_163 = vector.shape_cast %get3A_162 : vector<1x1x20000xf32> to vector<20000xf32>
    %broadcast_in_dim3A_164 = vector.shape_cast %get3A_163 : vector<20000xf32> to vector<1x20000xf32>
    %mul3A_165 = arith.mulf %broadcast_in_dim3A_158, %broadcast_in_dim3A_164 : vector<1x20000xf32>
    %get3A_166 = arith.constant 1 : index
    %get3A_167 = arith.constant 7 : index
    %get3A_168 = arith.constant 0 : index
    %get3A_169 = vector.load %arg1[%get3A_166, %get3A_167, %get3A_168] : memref<4x12x20000xf32, #tpu.memory_space<vmem>>, vector<1x1x20000xf32>
    %get3A_170 = vector.shape_cast %get3A_169 : vector<1x1x20000xf32> to vector<20000xf32>
    %broadcast_in_dim3A_171 = vector.shape_cast %get3A_170 : vector<20000xf32> to vector<1x20000xf32>
    %mul3A_172 = arith.mulf %mul3A_165, %broadcast_in_dim3A_171 : vector<1x20000xf32>
    %get3A_173 = arith.constant 1 : index
    %get3A_174 = arith.constant 5 : index
    %get3A_175 = arith.constant 0 : index
    %get3A_176 = vector.load %arg1[%get3A_173, %get3A_174, %get3A_175] : memref<4x12x20000xf32, #tpu.memory_space<vmem>>, vector<1x1x20000xf32>
    %get3A_177 = vector.shape_cast %get3A_176 : vector<1x1x20000xf32> to vector<20000xf32>
    %broadcast_in_dim3A_178 = vector.shape_cast %get3A_177 : vector<20000xf32> to vector<1x20000xf32>
    %add3A_179 = arith.addf %mul3A_172, %broadcast_in_dim3A_178 : vector<1x20000xf32>
    %get3A_180 = arith.constant 1 : index
    %get3A_181 = arith.constant 2 : index
    %get3A_182 = arith.constant 0 : index
    %get3A_183 = vector.load %arg1[%get3A_180, %get3A_181, %get3A_182] : memref<4x12x20000xf32, #tpu.memory_space<vmem>>, vector<1x1x20000xf32>
    %get3A_184 = vector.shape_cast %get3A_183 : vector<1x1x20000xf32> to vector<20000xf32>
    %broadcast_in_dim3A_185 = vector.shape_cast %get3A_184 : vector<20000xf32> to vector<1x20000xf32>
    %get3A_186 = arith.constant 1 : index
    %get3A_187 = arith.constant 10 : index
    %get3A_188 = arith.constant 0 : index
    %get3A_189 = vector.load %arg1[%get3A_186, %get3A_187, %get3A_188] : memref<4x12x20000xf32, #tpu.memory_space<vmem>>, vector<1x1x20000xf32>
    %get3A_190 = vector.shape_cast %get3A_189 : vector<1x1x20000xf32> to vector<20000xf32>
    %broadcast_in_dim3A_191 = vector.shape_cast %get3A_190 : vector<20000xf32> to vector<1x20000xf32>
    %mul3A_192 = arith.mulf %broadcast_in_dim3A_185, %broadcast_in_dim3A_191 : vector<1x20000xf32>
    %exp3A_193 = math.exp %mul3A_192 : vector<1x20000xf32>
    %get3A_194 = arith.constant 1 : index
    %get3A_195 = arith.constant 6 : index
    %get3A_196 = arith.constant 0 : index
    %get3A_197 = vector.load %arg1[%get3A_194, %get3A_195, %get3A_196] : memref<4x12x20000xf32, #tpu.memory_space<vmem>>, vector<1x1x20000xf32>
    %get3A_198 = vector.shape_cast %get3A_197 : vector<1x1x20000xf32> to vector<20000xf32>
    %broadcast_in_dim3A_199 = vector.shape_cast %get3A_198 : vector<20000xf32> to vector<1x20000xf32>
    %mul3A_200 = arith.mulf %exp3A_193, %broadcast_in_dim3A_199 : vector<1x20000xf32>
    %get3A_201 = arith.constant 1 : index
    %get3A_202 = arith.constant 3 : index
    %get3A_203 = arith.constant 0 : index
    %get3A_204 = vector.load %arg1[%get3A_201, %get3A_202, %get3A_203] : memref<4x12x20000xf32, #tpu.memory_space<vmem>>, vector<1x1x20000xf32>
    %get3A_205 = vector.shape_cast %get3A_204 : vector<1x1x20000xf32> to vector<20000xf32>
    %broadcast_in_dim3A_206 = vector.shape_cast %get3A_205 : vector<20000xf32> to vector<1x20000xf32>
    %get3A_207 = arith.constant 1 : index
    %get3A_208 = arith.constant 11 : index
    %get3A_209 = arith.constant 0 : index
    %get3A_210 = vector.load %arg1[%get3A_207, %get3A_208, %get3A_209] : memref<4x12x20000xf32, #tpu.memory_space<vmem>>, vector<1x1x20000xf32>
    %get3A_211 = vector.shape_cast %get3A_210 : vector<1x1x20000xf32> to vector<20000xf32>
    %broadcast_in_dim3A_212 = vector.shape_cast %get3A_211 : vector<20000xf32> to vector<1x20000xf32>
    %mul3A_213 = arith.mulf %broadcast_in_dim3A_206, %broadcast_in_dim3A_212 : vector<1x20000xf32>
    %exp3A_214 = math.exp %mul3A_213 : vector<1x20000xf32>
    %get3A_215 = arith.constant 1 : index
    %get3A_216 = arith.constant 7 : index
    %get3A_217 = arith.constant 0 : index
    %get3A_218 = vector.load %arg1[%get3A_215, %get3A_216, %get3A_217] : memref<4x12x20000xf32, #tpu.memory_space<vmem>>, vector<1x1x20000xf32>
    %get3A_219 = vector.shape_cast %get3A_218 : vector<1x1x20000xf32> to vector<20000xf32>
    %broadcast_in_dim3A_220 = vector.shape_cast %get3A_219 : vector<20000xf32> to vector<1x20000xf32>
    %mul3A_221 = arith.mulf %exp3A_214, %broadcast_in_dim3A_220 : vector<1x20000xf32>
    %mul3A_222 = arith.constant 5.000000e-01 : f32
    %mul3A_223 = vector.broadcast %mul3A_222 : f32 to vector<1x20000xf32>
    %mul3A_224 = arith.mulf %mul3A_223, %mul3A_200 : vector<1x20000xf32>
    %sub3A_225 = arith.subf %add3A_152, %mul3A_224 : vector<1x20000xf32>
    %mul3A_226 = arith.constant 5.120000e+02 : f32
    %mul3A_227 = vector.broadcast %mul3A_226 : f32 to vector<1x20000xf32>
    %mul3A_228 = arith.mulf %sub3A_225, %mul3A_227 : vector<1x20000xf32>
    %mul3A_229 = arith.constant 5.000000e-01 : f32
    %mul3A_230 = vector.broadcast %mul3A_229 : f32 to vector<1x20000xf32>
    %mul3A_231 = arith.mulf %mul3A_230, %mul3A_221 : vector<1x20000xf32>
    %sub3A_232 = arith.subf %add3A_179, %mul3A_231 : vector<1x20000xf32>
    %mul3A_233 = arith.constant 5.120000e+02 : f32
    %mul3A_234 = vector.broadcast %mul3A_233 : f32 to vector<1x20000xf32>
    %mul3A_235 = arith.mulf %sub3A_232, %mul3A_234 : vector<1x20000xf32>
    %mul3A_236 = arith.constant 5.000000e-01 : f32
    %mul3A_237 = vector.broadcast %mul3A_236 : f32 to vector<1x20000xf32>
    %mul3A_238 = arith.mulf %mul3A_237, %mul3A_200 : vector<1x20000xf32>
    %add3A_239 = arith.addf %add3A_152, %mul3A_238 : vector<1x20000xf32>
    %mul3A_240 = arith.constant 5.120000e+02 : f32
    %mul3A_241 = vector.broadcast %mul3A_240 : f32 to vector<1x20000xf32>
    %mul3A_242 = arith.mulf %add3A_239, %mul3A_241 : vector<1x20000xf32>
    %mul3A_243 = arith.constant 5.000000e-01 : f32
    %mul3A_244 = vector.broadcast %mul3A_243 : f32 to vector<1x20000xf32>
    %mul3A_245 = arith.mulf %mul3A_244, %mul3A_221 : vector<1x20000xf32>
    %add3A_246 = arith.addf %add3A_179, %mul3A_245 : vector<1x20000xf32>
    %mul3A_247 = arith.constant 5.120000e+02 : f32
    %mul3A_248 = vector.broadcast %mul3A_247 : f32 to vector<1x20000xf32>
    %mul3A_249 = arith.mulf %add3A_246, %mul3A_248 : vector<1x20000xf32>
    %concatenate3A_250 = tpu.concatenate %mul3A_228, %mul3A_235, %mul3A_242, %mul3A_249 in 0 : vector<1x20000xf32>, vector<1x20000xf32>, vector<1x20000xf32>, vector<1x20000xf32> -> vector<4x20000xf32>
    %swap3A_251 = arith.constant 1 : index
    %swap3A_252 = arith.constant 0 : index
    %swap3A_253 = arith.constant 0 : index
    %swap3A_254 = vector.load %arg3[%swap3A_251, %swap3A_252, %swap3A_253] : memref<4x4x20000xf32, #tpu.memory_space<vmem>>, vector<1x4x20000xf32>
    %swap3A_255 = vector.shape_cast %swap3A_254 : vector<1x4x20000xf32> to vector<4x20000xf32>
    %swap3A_256 = vector.shape_cast %concatenate3A_250 : vector<4x20000xf32> to vector<1x4x20000xf32>
    tpu.vector_store %arg3[%swap3A_251, %swap3A_252, %swap3A_253], %swap3A_256 {strides = array<i32>} : memref<4x4x20000xf32, #tpu.memory_space<vmem>>, vector<1x4x20000xf32>,
    %get3A_257 = arith.constant 2 : index
    %get3A_258 = arith.constant 0 : index
    %get3A_259 = arith.constant 0 : index
    %get3A_260 = vector.load %arg1[%get3A_257, %get3A_258, %get3A_259] : memref<4x12x20000xf32, #tpu.memory_space<vmem>>, vector<1x1x20000xf32>
    %get3A_261 = vector.shape_cast %get3A_260 : vector<1x1x20000xf32> to vector<20000xf32>
    %broadcast_in_dim3A_262 = vector.shape_cast %get3A_261 : vector<20000xf32> to vector<1x20000xf32>
    %get3A_263 = arith.constant 2 : index
    %get3A_264 = arith.constant 8 : index
    %get3A_265 = arith.constant 0 : index
    %get3A_266 = vector.load %arg1[%get3A_263, %get3A_264, %get3A_265] : memref<4x12x20000xf32, #tpu.memory_space<vmem>>, vector<1x1x20000xf32>
    %get3A_267 = vector.shape_cast %get3A_266 : vector<1x1x20000xf32> to vector<20000xf32>
    %broadcast_in_dim3A_268 = vector.shape_cast %get3A_267 : vector<20000xf32> to vector<1x20000xf32>
    %mul3A_269 = arith.mulf %broadcast_in_dim3A_262, %broadcast_in_dim3A_268 : vector<1x20000xf32>
    %get3A_270 = arith.constant 2 : index
    %get3A_271 = arith.constant 6 : index
    %get3A_272 = arith.constant 0 : index
    %get3A_273 = vector.load %arg1[%get3A_270, %get3A_271, %get3A_272] : memref<4x12x20000xf32, #tpu.memory_space<vmem>>, vector<1x1x20000xf32>
    %get3A_274 = vector.shape_cast %get3A_273 : vector<1x1x20000xf32> to vector<20000xf32>
    %broadcast_in_dim3A_275 = vector.shape_cast %get3A_274 : vector<20000xf32> to vector<1x20000xf32>
    %mul3A_276 = arith.mulf %mul3A_269, %broadcast_in_dim3A_275 : vector<1x20000xf32>
    %get3A_277 = arith.constant 2 : index
    %get3A_278 = arith.constant 4 : index
    %get3A_279 = arith.constant 0 : index
    %get3A_280 = vector.load %arg1[%get3A_277, %get3A_278, %get3A_279] : memref<4x12x20000xf32, #tpu.memory_space<vmem>>, vector<1x1x20000xf32>
    %get3A_281 = vector.shape_cast %get3A_280 : vector<1x1x20000xf32> to vector<20000xf32>
    %broadcast_in_dim3A_282 = vector.shape_cast %get3A_281 : vector<20000xf32> to vector<1x20000xf32>
    %add3A_283 = arith.addf %mul3A_276, %broadcast_in_dim3A_282 : vector<1x20000xf32>
    %get3A_284 = arith.constant 2 : index
    %get3A_285 = arith.constant 1 : index
    %get3A_286 = arith.constant 0 : index
    %get3A_287 = vector.load %arg1[%get3A_284, %get3A_285, %get3A_286] : memref<4x12x20000xf32, #tpu.memory_space<vmem>>, vector<1x1x20000xf32>
    %get3A_288 = vector.shape_cast %get3A_287 : vector<1x1x20000xf32> to vector<20000xf32>
    %broadcast_in_dim3A_289 = vector.shape_cast %get3A_288 : vector<20000xf32> to vector<1x20000xf32>
    %get3A_290 = arith.constant 2 : index
    %get3A_291 = arith.constant 9 : index
    %get3A_292 = arith.constant 0 : index
    %get3A_293 = vector.load %arg1[%get3A_290, %get3A_291, %get3A_292] : memref<4x12x20000xf32, #tpu.memory_space<vmem>>, vector<1x1x20000xf32>
    %get3A_294 = vector.shape_cast %get3A_293 : vector<1x1x20000xf32> to vector<20000xf32>
    %broadcast_in_dim3A_295 = vector.shape_cast %get3A_294 : vector<20000xf32> to vector<1x20000xf32>
    %mul3A_296 = arith.mulf %broadcast_in_dim3A_289, %broadcast_in_dim3A_295 : vector<1x20000xf32>
    %get3A_297 = arith.constant 2 : index
    %get3A_298 = arith.constant 7 : index
    %get3A_299 = arith.constant 0 : index
    %get3A_300 = vector.load %arg1[%get3A_297, %get3A_298, %get3A_299] : memref<4x12x20000xf32, #tpu.memory_space<vmem>>, vector<1x1x20000xf32>
    %get3A_301 = vector.shape_cast %get3A_300 : vector<1x1x20000xf32> to vector<20000xf32>
    %broadcast_in_dim3A_302 = vector.shape_cast %get3A_301 : vector<20000xf32> to vector<1x20000xf32>
    %mul3A_303 = arith.mulf %mul3A_296, %broadcast_in_dim3A_302 : vector<1x20000xf32>
    %get3A_304 = arith.constant 2 : index
    %get3A_305 = arith.constant 5 : index
    %get3A_306 = arith.constant 0 : index
    %get3A_307 = vector.load %arg1[%get3A_304, %get3A_305, %get3A_306] : memref<4x12x20000xf32, #tpu.memory_space<vmem>>, vector<1x1x20000xf32>
    %get3A_308 = vector.shape_cast %get3A_307 : vector<1x1x20000xf32> to vector<20000xf32>
    %broadcast_in_dim3A_309 = vector.shape_cast %get3A_308 : vector<20000xf32> to vector<1x20000xf32>
    %add3A_310 = arith.addf %mul3A_303, %broadcast_in_dim3A_309 : vector<1x20000xf32>
    %get3A_311 = arith.constant 2 : index
    %get3A_312 = arith.constant 2 : index
    %get3A_313 = arith.constant 0 : index
    %get3A_314 = vector.load %arg1[%get3A_311, %get3A_312, %get3A_313] : memref<4x12x20000xf32, #tpu.memory_space<vmem>>, vector<1x1x20000xf32>
    %get3A_315 = vector.shape_cast %get3A_314 : vector<1x1x20000xf32> to vector<20000xf32>
    %broadcast_in_dim3A_316 = vector.shape_cast %get3A_315 : vector<20000xf32> to vector<1x20000xf32>
    %get3A_317 = arith.constant 2 : index
    %get3A_318 = arith.constant 10 : index
    %get3A_319 = arith.constant 0 : index
    %get3A_320 = vector.load %arg1[%get3A_317, %get3A_318, %get3A_319] : memref<4x12x20000xf32, #tpu.memory_space<vmem>>, vector<1x1x20000xf32>
    %get3A_321 = vector.shape_cast %get3A_320 : vector<1x1x20000xf32> to vector<20000xf32>
    %broadcast_in_dim3A_322 = vector.shape_cast %get3A_321 : vector<20000xf32> to vector<1x20000xf32>
    %mul3A_323 = arith.mulf %broadcast_in_dim3A_316, %broadcast_in_dim3A_322 : vector<1x20000xf32>
    %exp3A_324 = math.exp %mul3A_323 : vector<1x20000xf32>
    %get3A_325 = arith.constant 2 : index
    %get3A_326 = arith.constant 6 : index
    %get3A_327 = arith.constant 0 : index
    %get3A_328 = vector.load %arg1[%get3A_325, %get3A_326, %get3A_327] : memref<4x12x20000xf32, #tpu.memory_space<vmem>>, vector<1x1x20000xf32>
    %get3A_329 = vector.shape_cast %get3A_328 : vector<1x1x20000xf32> to vector<20000xf32>
    %broadcast_in_dim3A_330 = vector.shape_cast %get3A_329 : vector<20000xf32> to vector<1x20000xf32>
    %mul3A_331 = arith.mulf %exp3A_324, %broadcast_in_dim3A_330 : vector<1x20000xf32>
    %get3A_332 = arith.constant 2 : index
    %get3A_333 = arith.constant 3 : index
    %get3A_334 = arith.constant 0 : index
    %get3A_335 = vector.load %arg1[%get3A_332, %get3A_333, %get3A_334] : memref<4x12x20000xf32, #tpu.memory_space<vmem>>, vector<1x1x20000xf32>
    %get3A_336 = vector.shape_cast %get3A_335 : vector<1x1x20000xf32> to vector<20000xf32>
    %broadcast_in_dim3A_337 = vector.shape_cast %get3A_336 : vector<20000xf32> to vector<1x20000xf32>
    %get3A_338 = arith.constant 2 : index
    %get3A_339 = arith.constant 11 : index
    %get3A_340 = arith.constant 0 : index
    %get3A_341 = vector.load %arg1[%get3A_338, %get3A_339, %get3A_340] : memref<4x12x20000xf32, #tpu.memory_space<vmem>>, vector<1x1x20000xf32>
    %get3A_342 = vector.shape_cast %get3A_341 : vector<1x1x20000xf32> to vector<20000xf32>
    %broadcast_in_dim3A_343 = vector.shape_cast %get3A_342 : vector<20000xf32> to vector<1x20000xf32>
    %mul3A_344 = arith.mulf %broadcast_in_dim3A_337, %broadcast_in_dim3A_343 : vector<1x20000xf32>
    %exp3A_345 = math.exp %mul3A_344 : vector<1x20000xf32>
    %get3A_346 = arith.constant 2 : index
    %get3A_347 = arith.constant 7 : index
    %get3A_348 = arith.constant 0 : index
    %get3A_349 = vector.load %arg1[%get3A_346, %get3A_347, %get3A_348] : memref<4x12x20000xf32, #tpu.memory_space<vmem>>, vector<1x1x20000xf32>
    %get3A_350 = vector.shape_cast %get3A_349 : vector<1x1x20000xf32> to vector<20000xf32>
    %broadcast_in_dim3A_351 = vector.shape_cast %get3A_350 : vector<20000xf32> to vector<1x20000xf32>
    %mul3A_352 = arith.mulf %exp3A_345, %broadcast_in_dim3A_351 : vector<1x20000xf32>
    %mul3A_353 = arith.constant 5.000000e-01 : f32
    %mul3A_354 = vector.broadcast %mul3A_353 : f32 to vector<1x20000xf32>
    %mul3A_355 = arith.mulf %mul3A_354, %mul3A_331 : vector<1x20000xf32>
    %sub3A_356 = arith.subf %add3A_283, %mul3A_355 : vector<1x20000xf32>
    %mul3A_357 = arith.constant 5.120000e+02 : f32
    %mul3A_358 = vector.broadcast %mul3A_357 : f32 to vector<1x20000xf32>
    %mul3A_359 = arith.mulf %sub3A_356, %mul3A_358 : vector<1x20000xf32>
    %mul3A_360 = arith.constant 5.000000e-01 : f32
    %mul3A_361 = vector.broadcast %mul3A_360 : f32 to vector<1x20000xf32>
    %mul3A_362 = arith.mulf %mul3A_361, %mul3A_352 : vector<1x20000xf32>
    %sub3A_363 = arith.subf %add3A_310, %mul3A_362 : vector<1x20000xf32>
    %mul3A_364 = arith.constant 5.120000e+02 : f32
    %mul3A_365 = vector.broadcast %mul3A_364 : f32 to vector<1x20000xf32>
    %mul3A_366 = arith.mulf %sub3A_363, %mul3A_365 : vector<1x20000xf32>
    %mul3A_367 = arith.constant 5.000000e-01 : f32
    %mul3A_368 = vector.broadcast %mul3A_367 : f32 to vector<1x20000xf32>
    %mul3A_369 = arith.mulf %mul3A_368, %mul3A_331 : vector<1x20000xf32>
    %add3A_370 = arith.addf %add3A_283, %mul3A_369 : vector<1x20000xf32>
    %mul3A_371 = arith.constant 5.120000e+02 : f32
    %mul3A_372 = vector.broadcast %mul3A_371 : f32 to vector<1x20000xf32>
    %mul3A_373 = arith.mulf %add3A_370, %mul3A_372 : vector<1x20000xf32>
    %mul3A_374 = arith.constant 5.000000e-01 : f32
    %mul3A_375 = vector.broadcast %mul3A_374 : f32 to vector<1x20000xf32>
    %mul3A_376 = arith.mulf %mul3A_375, %mul3A_352 : vector<1x20000xf32>
    %add3A_377 = arith.addf %add3A_310, %mul3A_376 : vector<1x20000xf32>
    %mul3A_378 = arith.constant 5.120000e+02 : f32
    %mul3A_379 = vector.broadcast %mul3A_378 : f32 to vector<1x20000xf32>
    %mul3A_380 = arith.mulf %add3A_377, %mul3A_379 : vector<1x20000xf32>
    %concatenate3A_381 = tpu.concatenate %mul3A_359, %mul3A_366, %mul3A_373, %mul3A_380 in 0 : vector<1x20000xf32>, vector<1x20000xf32>, vector<1x20000xf32>, vector<1x20000xf32> -> vector<4x20000xf32>
    %swap3A_382 = arith.constant 2 : index
    %swap3A_383 = arith.constant 0 : index
    %swap3A_384 = arith.constant 0 : index
    %swap3A_385 = vector.load %arg3[%swap3A_382, %swap3A_383, %swap3A_384] : memref<4x4x20000xf32, #tpu.memory_space<vmem>>, vector<1x4x20000xf32>
    %swap3A_386 = vector.shape_cast %swap3A_385 : vector<1x4x20000xf32> to vector<4x20000xf32>
    %swap3A_387 = vector.shape_cast %concatenate3A_381 : vector<4x20000xf32> to vector<1x4x20000xf32>
    tpu.vector_store %arg3[%swap3A_382, %swap3A_383, %swap3A_384], %swap3A_387 {strides = array<i32>} : memref<4x4x20000xf32, #tpu.memory_space<vmem>>, vector<1x4x20000xf32>,
    %get3A_388 = arith.constant 3 : index
    %get3A_389 = arith.constant 0 : index
    %get3A_390 = arith.constant 0 : index
    %get3A_391 = vector.load %arg1[%get3A_388, %get3A_389, %get3A_390] : memref<4x12x20000xf32, #tpu.memory_space<vmem>>, vector<1x1x20000xf32>
    %get3A_392 = vector.shape_cast %get3A_391 : vector<1x1x20000xf32> to vector<20000xf32>
    %broadcast_in_dim3A_393 = vector.shape_cast %get3A_392 : vector<20000xf32> to vector<1x20000xf32>
    %get3A_394 = arith.constant 3 : index
    %get3A_395 = arith.constant 8 : index
    %get3A_396 = arith.constant 0 : index
    %get3A_397 = vector.load %arg1[%get3A_394, %get3A_395, %get3A_396] : memref<4x12x20000xf32, #tpu.memory_space<vmem>>, vector<1x1x20000xf32>
    %get3A_398 = vector.shape_cast %get3A_397 : vector<1x1x20000xf32> to vector<20000xf32>
    %broadcast_in_dim3A_399 = vector.shape_cast %get3A_398 : vector<20000xf32> to vector<1x20000xf32>
    %mul3A_400 = arith.mulf %broadcast_in_dim3A_393, %broadcast_in_dim3A_399 : vector<1x20000xf32>
    %get3A_401 = arith.constant 3 : index
    %get3A_402 = arith.constant 6 : index
    %get3A_403 = arith.constant 0 : index
    %get3A_404 = vector.load %arg1[%get3A_401, %get3A_402, %get3A_403] : memref<4x12x20000xf32, #tpu.memory_space<vmem>>, vector<1x1x20000xf32>
    %get3A_405 = vector.shape_cast %get3A_404 : vector<1x1x20000xf32> to vector<20000xf32>
    %broadcast_in_dim3A_406 = vector.shape_cast %get3A_405 : vector<20000xf32> to vector<1x20000xf32>
    %mul3A_407 = arith.mulf %mul3A_400, %broadcast_in_dim3A_406 : vector<1x20000xf32>
    %get3A_408 = arith.constant 3 : index
    %get3A_409 = arith.constant 4 : index
    %get3A_410 = arith.constant 0 : index
    %get3A_411 = vector.load %arg1[%get3A_408, %get3A_409, %get3A_410] : memref<4x12x20000xf32, #tpu.memory_space<vmem>>, vector<1x1x20000xf32>
    %get3A_412 = vector.shape_cast %get3A_411 : vector<1x1x20000xf32> to vector<20000xf32>
    %broadcast_in_dim3A_413 = vector.shape_cast %get3A_412 : vector<20000xf32> to vector<1x20000xf32>
    %add3A_414 = arith.addf %mul3A_407, %broadcast_in_dim3A_413 : vector<1x20000xf32>
    %get3A_415 = arith.constant 3 : index
    %get3A_416 = arith.constant 1 : index
    %get3A_417 = arith.constant 0 : index
    %get3A_418 = vector.load %arg1[%get3A_415, %get3A_416, %get3A_417] : memref<4x12x20000xf32, #tpu.memory_space<vmem>>, vector<1x1x20000xf32>
    %get3A_419 = vector.shape_cast %get3A_418 : vector<1x1x20000xf32> to vector<20000xf32>
    %broadcast_in_dim3A_420 = vector.shape_cast %get3A_419 : vector<20000xf32> to vector<1x20000xf32>
    %get3A_421 = arith.constant 3 : index
    %get3A_422 = arith.constant 9 : index
    %get3A_423 = arith.constant 0 : index
    %get3A_424 = vector.load %arg1[%get3A_421, %get3A_422, %get3A_423] : memref<4x12x20000xf32, #tpu.memory_space<vmem>>, vector<1x1x20000xf32>
    %get3A_425 = vector.shape_cast %get3A_424 : vector<1x1x20000xf32> to vector<20000xf32>
    %broadcast_in_dim3A_426 = vector.shape_cast %get3A_425 : vector<20000xf32> to vector<1x20000xf32>
    %mul3A_427 = arith.mulf %broadcast_in_dim3A_420, %broadcast_in_dim3A_426 : vector<1x20000xf32>
    %get3A_428 = arith.constant 3 : index
    %get3A_429 = arith.constant 7 : index
    %get3A_430 = arith.constant 0 : index
    %get3A_431 = vector.load %arg1[%get3A_428, %get3A_429, %get3A_430] : memref<4x12x20000xf32, #tpu.memory_space<vmem>>, vector<1x1x20000xf32>
    %get3A_432 = vector.shape_cast %get3A_431 : vector<1x1x20000xf32> to vector<20000xf32>
    %broadcast_in_dim3A_433 = vector.shape_cast %get3A_432 : vector<20000xf32> to vector<1x20000xf32>
    %mul3A_434 = arith.mulf %mul3A_427, %broadcast_in_dim3A_433 : vector<1x20000xf32>
    %get3A_435 = arith.constant 3 : index
    %get3A_436 = arith.constant 5 : index
    %get3A_437 = arith.constant 0 : index
    %get3A_438 = vector.load %arg1[%get3A_435, %get3A_436, %get3A_437] : memref<4x12x20000xf32, #tpu.memory_space<vmem>>, vector<1x1x20000xf32>
    %get3A_439 = vector.shape_cast %get3A_438 : vector<1x1x20000xf32> to vector<20000xf32>
    %broadcast_in_dim3A_440 = vector.shape_cast %get3A_439 : vector<20000xf32> to vector<1x20000xf32>
    %add3A_441 = arith.addf %mul3A_434, %broadcast_in_dim3A_440 : vector<1x20000xf32>
    %get3A_442 = arith.constant 3 : index
    %get3A_443 = arith.constant 2 : index
    %get3A_444 = arith.constant 0 : index
    %get3A_445 = vector.load %arg1[%get3A_442, %get3A_443, %get3A_444] : memref<4x12x20000xf32, #tpu.memory_space<vmem>>, vector<1x1x20000xf32>
    %get3A_446 = vector.shape_cast %get3A_445 : vector<1x1x20000xf32> to vector<20000xf32>
    %broadcast_in_dim3A_447 = vector.shape_cast %get3A_446 : vector<20000xf32> to vector<1x20000xf32>
    %get3A_448 = arith.constant 3 : index
    %get3A_449 = arith.constant 10 : index
    %get3A_450 = arith.constant 0 : index
    %get3A_451 = vector.load %arg1[%get3A_448, %get3A_449, %get3A_450] : memref<4x12x20000xf32, #tpu.memory_space<vmem>>, vector<1x1x20000xf32>
    %get3A_452 = vector.shape_cast %get3A_451 : vector<1x1x20000xf32> to vector<20000xf32>
    %broadcast_in_dim3A_453 = vector.shape_cast %get3A_452 : vector<20000xf32> to vector<1x20000xf32>
    %mul3A_454 = arith.mulf %broadcast_in_dim3A_447, %broadcast_in_dim3A_453 : vector<1x20000xf32>
    %exp3A_455 = math.exp %mul3A_454 : vector<1x20000xf32>
    %get3A_456 = arith.constant 3 : index
    %get3A_457 = arith.constant 6 : index
    %get3A_458 = arith.constant 0 : index
    %get3A_459 = vector.load %arg1[%get3A_456, %get3A_457, %get3A_458] : memref<4x12x20000xf32, #tpu.memory_space<vmem>>, vector<1x1x20000xf32>
    %get3A_460 = vector.shape_cast %get3A_459 : vector<1x1x20000xf32> to vector<20000xf32>
    %broadcast_in_dim3A_461 = vector.shape_cast %get3A_460 : vector<20000xf32> to vector<1x20000xf32>
    %mul3A_462 = arith.mulf %exp3A_455, %broadcast_in_dim3A_461 : vector<1x20000xf32>
    %get3A_463 = arith.constant 3 : index
    %get3A_464 = arith.constant 3 : index
    %get3A_465 = arith.constant 0 : index
    %get3A_466 = vector.load %arg1[%get3A_463, %get3A_464, %get3A_465] : memref<4x12x20000xf32, #tpu.memory_space<vmem>>, vector<1x1x20000xf32>
    %get3A_467 = vector.shape_cast %get3A_466 : vector<1x1x20000xf32> to vector<20000xf32>
    %broadcast_in_dim3A_468 = vector.shape_cast %get3A_467 : vector<20000xf32> to vector<1x20000xf32>
    %get3A_469 = arith.constant 3 : index
    %get3A_470 = arith.constant 11 : index
    %get3A_471 = arith.constant 0 : index
    %get3A_472 = vector.load %arg1[%get3A_469, %get3A_470, %get3A_471] : memref<4x12x20000xf32, #tpu.memory_space<vmem>>, vector<1x1x20000xf32>
    %get3A_473 = vector.shape_cast %get3A_472 : vector<1x1x20000xf32> to vector<20000xf32>
    %broadcast_in_dim3A_474 = vector.shape_cast %get3A_473 : vector<20000xf32> to vector<1x20000xf32>
    %mul3A_475 = arith.mulf %broadcast_in_dim3A_468, %broadcast_in_dim3A_474 : vector<1x20000xf32>
    %exp3A_476 = math.exp %mul3A_475 : vector<1x20000xf32>
    %get3A_477 = arith.constant 3 : index
    %get3A_478 = arith.constant 7 : index
    %get3A_479 = arith.constant 0 : index
    %get3A_480 = vector.load %arg1[%get3A_477, %get3A_478, %get3A_479] : memref<4x12x20000xf32, #tpu.memory_space<vmem>>, vector<1x1x20000xf32>
    %get3A_481 = vector.shape_cast %get3A_480 : vector<1x1x20000xf32> to vector<20000xf32>
    %broadcast_in_dim3A_482 = vector.shape_cast %get3A_481 : vector<20000xf32> to vector<1x20000xf32>
    %mul3A_483 = arith.mulf %exp3A_476, %broadcast_in_dim3A_482 : vector<1x20000xf32>
    %mul3A_484 = arith.constant 5.000000e-01 : f32
    %mul3A_485 = vector.broadcast %mul3A_484 : f32 to vector<1x20000xf32>
    %mul3A_486 = arith.mulf %mul3A_485, %mul3A_462 : vector<1x20000xf32>
    %sub3A_487 = arith.subf %add3A_414, %mul3A_486 : vector<1x20000xf32>
    %mul3A_488 = arith.constant 5.120000e+02 : f32
    %mul3A_489 = vector.broadcast %mul3A_488 : f32 to vector<1x20000xf32>
    %mul3A_490 = arith.mulf %sub3A_487, %mul3A_489 : vector<1x20000xf32>
    %mul3A_491 = arith.constant 5.000000e-01 : f32
    %mul3A_492 = vector.broadcast %mul3A_491 : f32 to vector<1x20000xf32>
    %mul3A_493 = arith.mulf %mul3A_492, %mul3A_483 : vector<1x20000xf32>
    %sub3A_494 = arith.subf %add3A_441, %mul3A_493 : vector<1x20000xf32>
    %mul3A_495 = arith.constant 5.120000e+02 : f32
    %mul3A_496 = vector.broadcast %mul3A_495 : f32 to vector<1x20000xf32>
    %mul3A_497 = arith.mulf %sub3A_494, %mul3A_496 : vector<1x20000xf32>
    %mul3A_498 = arith.constant 5.000000e-01 : f32
    %mul3A_499 = vector.broadcast %mul3A_498 : f32 to vector<1x20000xf32>
    %mul3A_500 = arith.mulf %mul3A_499, %mul3A_462 : vector<1x20000xf32>
    %add3A_501 = arith.addf %add3A_414, %mul3A_500 : vector<1x20000xf32>
    %mul3A_502 = arith.constant 5.120000e+02 : f32
    %mul3A_503 = vector.broadcast %mul3A_502 : f32 to vector<1x20000xf32>
    %mul3A_504 = arith.mulf %add3A_501, %mul3A_503 : vector<1x20000xf32>
    %mul3A_505 = arith.constant 5.000000e-01 : f32
    %mul3A_506 = vector.broadcast %mul3A_505 : f32 to vector<1x20000xf32>
    %mul3A_507 = arith.mulf %mul3A_506, %mul3A_483 : vector<1x20000xf32>
    %add3A_508 = arith.addf %add3A_441, %mul3A_507 : vector<1x20000xf32>
    %mul3A_509 = arith.constant 5.120000e+02 : f32
    %mul3A_510 = vector.broadcast %mul3A_509 : f32 to vector<1x20000xf32>
    %mul3A_511 = arith.mulf %add3A_508, %mul3A_510 : vector<1x20000xf32>
    %concatenate3A_512 = tpu.concatenate %mul3A_490, %mul3A_497, %mul3A_504, %mul3A_511 in 0 : vector<1x20000xf32>, vector<1x20000xf32>, vector<1x20000xf32>, vector<1x20000xf32> -> vector<4x20000xf32>
    %swap3A_513 = arith.constant 3 : index
    %swap3A_514 = arith.constant 0 : index
    %swap3A_515 = arith.constant 0 : index
    %swap3A_516 = vector.load %arg3[%swap3A_513, %swap3A_514, %swap3A_515] : memref<4x4x20000xf32, #tpu.memory_space<vmem>>, vector<1x4x20000xf32>
    %swap3A_517 = vector.shape_cast %swap3A_516 : vector<1x4x20000xf32> to vector<4x20000xf32>
    %swap3A_518 = vector.shape_cast %concatenate3A_512 : vector<4x20000xf32> to vector<1x4x20000xf32>
    tpu.vector_store %arg3[%swap3A_513, %swap3A_514, %swap3A_515], %swap3A_518 {strides = array<i32>} : memref<4x4x20000xf32, #tpu.memory_space<vmem>>, vector<1x4x20000xf32>,
    %broadcast_in_dim3A_519 = arith.constant 0.00999999977 : f32
    %broadcast_in_dim3A_520 = vector.broadcast %broadcast_in_dim3A_519 : f32 to vector<80x1xf32>
    %broadcast_in_dim3A_521 = arith.constant 1.000000e+00 : f32
    %broadcast_in_dim3A_522 = vector.broadcast %broadcast_in_dim3A_521 : f32 to vector<80x1xf32>
    %scan3A = arith.constant 6.400000e+02 : f32
    %scan3A_523 = arith.constant 0 : i32
    %scan3A_524 = arith.constant 16 : i32
    %scan3A_525 = arith.addi %scan3A_523, %scan3A_524 : i32
    %scan3A_526 = arith.constant 1 : i32
    %scan3A_527:2 = scf.for %scan3A_533 = %scan3A_523 to %scan3A_525 step %scan3A_526 iter_args(%scan3A_534 = %broadcast_in_dim3A_520, %scan3A_535 = %broadcast_in_dim3A_522) -> (vector<80x1xf32>, vector<80x1xf32>)  : i32 {
      %add3A_536 = arith.addf %scan3A_534, %scan3A_535 : vector<80x1xf32>
      %mul3A_537 = arith.constant 5.000000e-01 : f32
      %mul3A_538 = vector.broadcast %mul3A_537 : f32 to vector<80x1xf32>
      %mul3A_539 = arith.mulf %add3A_536, %mul3A_538 : vector<80x1xf32>
      %gt3A = vector.broadcast %mul3A_539 : vector<80x1xf32> to vector<80x20000xf32>
      %gt3A_540 = arith.cmpf ogt, %get3A_1, %gt3A : vector<80x20000xf32>
      %jit3A = arith.constant 1.000000e+00 : f32
      %jit3A_541 = arith.constant 0.000000e+00 : f32
      %broadcast_in_dim3A_542 = vector.broadcast %jit3A : f32 to vector<80x20000xf32>
      %broadcast_in_dim3A_543 = vector.broadcast %jit3A_541 : f32 to vector<80x20000xf32>
      %select_n3A = arith.select %gt3A_540, %broadcast_in_dim3A_542, %broadcast_in_dim3A_543 : vector<80x20000xi1>, vector<80x20000xf32>
      %reduce_sum3A = arith.constant dense<0.000000e+00> : vector<80xf32>
      %reduce_sum3A_544 = vector.multi_reduction <add>, %select_n3A, %reduce_sum3A [1] : vector<80x20000xf32> to vector<80xf32>
      %broadcast_in_dim3A_545 = vector.shape_cast %reduce_sum3A_544 : vector<80xf32> to vector<80x1xf32>
      %gt3A_546 = vector.broadcast %scan3A : f32 to vector<80x1xf32>
      %gt3A_547 = arith.cmpf ogt, %broadcast_in_dim3A_545, %gt3A_546 : vector<80x1xf32>
      %select_n3A_548 = arith.select %gt3A_547, %mul3A_539, %scan3A_534 : vector<80x1xi1>, vector<80x1xf32>
      %select_n3A_549 = arith.select %gt3A_547, %scan3A_535, %mul3A_539 : vector<80x1xi1>, vector<80x1xf32>
      scf.yield %select_n3A_548, %select_n3A_549 : vector<80x1xf32>, vector<80x1xf32>
    }
    %broadcast_in_dim3A_528 = vector.shape_cast %scan3A_527#1 : vector<80x1xf32> to vector<80x1xf32>
    %broadcast_in_dim3A_529 = vector.broadcast %broadcast_in_dim3A_528 : vector<80x1xf32> to vector<80x16xf32>
    %swap3A_530 = arith.constant 0 : index
    %swap3A_531 = arith.constant 0 : index
    %swap3A_532 = vector.load %arg2[%swap3A_530, %swap3A_531] : memref<80x16xf32, #tpu.memory_space<vmem>>, vector<80x16xf32>
    tpu.vector_store %arg2[%swap3A_530, %swap3A_531], %broadcast_in_dim3A_529 {strides = array<i32>} : memref<80x16xf32, #tpu.memory_space<vmem>>, vector<80x16xf32>,
    return
  }
}

module attributes {stable_mosaic.version = 14 : i64} {
  func.func @_nms_body(%arg0: memref<4x20x640xf32, #tpu.memory_space<vmem>>, %arg1: memref<4x20x640xf32, #tpu.memory_space<vmem>>, %arg2: memref<4x20x640xf32, #tpu.memory_space<vmem>>, %arg3: memref<4x20x640xf32, #tpu.memory_space<vmem>>, %arg4: memref<4x20x640xf32, #tpu.memory_space<vmem>>, %arg5: memref<4x1x200xf32, #tpu.memory_space<vmem>>, %arg6: memref<4x1x200xf32, #tpu.memory_space<vmem>>, %arg7: memref<4x1x200xf32, #tpu.memory_space<vmem>>, %arg8: memref<4x1x200xf32, #tpu.memory_space<vmem>>, %arg9: memref<4x1x200xf32, #tpu.memory_space<vmem>>, %arg10: memref<4x1x200xf32, #tpu.memory_space<vmem>>) attributes {dimension_semantics = [], scalar_prefetch = 0 : i64, scratch_operands = 0 : i64, tpu.core_type = #tpu.core_type<tc>} {
    %get3A = arith.constant 0 : index
    %get3A_0 = arith.constant 0 : index
    %get3A_1 = arith.constant 0 : index
    %get3A_2 = vector.load %arg0[%get3A, %get3A_0, %get3A_1] : memref<4x20x640xf32, #tpu.memory_space<vmem>>, vector<4x20x640xf32>
    %get3A_3 = arith.constant 0 : index
    %get3A_4 = arith.constant 0 : index
    %get3A_5 = arith.constant 0 : index
    %get3A_6 = vector.load %arg1[%get3A_3, %get3A_4, %get3A_5] : memref<4x20x640xf32, #tpu.memory_space<vmem>>, vector<4x20x640xf32>
    %get3A_7 = arith.constant 0 : index
    %get3A_8 = arith.constant 0 : index
    %get3A_9 = arith.constant 0 : index
    %get3A_10 = vector.load %arg2[%get3A_7, %get3A_8, %get3A_9] : memref<4x20x640xf32, #tpu.memory_space<vmem>>, vector<4x20x640xf32>
    %get3A_11 = arith.constant 0 : index
    %get3A_12 = arith.constant 0 : index
    %get3A_13 = arith.constant 0 : index
    %get3A_14 = vector.load %arg3[%get3A_11, %get3A_12, %get3A_13] : memref<4x20x640xf32, #tpu.memory_space<vmem>>, vector<4x20x640xf32>
    %get3A_15 = arith.constant 0 : index
    %get3A_16 = arith.constant 0 : index
    %get3A_17 = arith.constant 0 : index
    %get3A_18 = vector.load %arg4[%get3A_15, %get3A_16, %get3A_17] : memref<4x20x640xf32, #tpu.memory_space<vmem>>, vector<4x20x640xf32>
    %sub3A = arith.subf %get3A_14, %get3A_6 : vector<4x20x640xf32>
    %sub3A_19 = arith.subf %get3A_18, %get3A_10 : vector<4x20x640xf32>
    %mul3A = arith.mulf %sub3A, %sub3A_19 : vector<4x20x640xf32>
    %iota3A = tpu.iota {dimensions = array<i32: 2>} : vector<4x20x640xi32>
    %iota3A_20 = tpu.iota {dimensions = array<i32: 2>} : vector<4x20x200xi32>
    %broadcast_in_dim3A = arith.constant 0xFF800000 : f32
    %broadcast_in_dim3A_21 = vector.broadcast %broadcast_in_dim3A : f32 to vector<4x20x200xf32>
    %broadcast_in_dim3A_22 = arith.constant 0.000000e+00 : f32
    %broadcast_in_dim3A_23 = vector.broadcast %broadcast_in_dim3A_22 : f32 to vector<4x20x200xf32>
    %scan3A = arith.constant 0 : i32
    %scan3A_24 = arith.constant 200 : i32
    %scan3A_25 = arith.addi %scan3A, %scan3A_24 : i32
    %scan3A_26 = arith.constant 1 : i32
    %scan3A_27:6 = scf.for %scan3A_68 = %scan3A to %scan3A_25 step %scan3A_26 iter_args(%scan3A_69 = %get3A_2, %scan3A_70 = %broadcast_in_dim3A_21, %scan3A_71 = %broadcast_in_dim3A_23, %scan3A_72 = %broadcast_in_dim3A_23, %scan3A_73 = %broadcast_in_dim3A_23, %scan3A_74 = %broadcast_in_dim3A_23) -> (vector<4x20x640xf32>, vector<4x20x200xf32>, vector<4x20x200xf32>, vector<4x20x200xf32>, vector<4x20x200xf32>, vector<4x20x200xf32>)  : i32 {
      %reduce_max3A = arith.constant dense<0xFF800000> : vector<4x20xf32>
      %reduce_max3A_75 = vector.multi_reduction <maximumf>, %scan3A_69, %reduce_max3A [2] : vector<4x20x640xf32> to vector<4x20xf32>
      %broadcast_in_dim3A_76 = vector.shape_cast %reduce_max3A_75 : vector<4x20xf32> to vector<4x20x1xf32>
      %eq3A = vector.broadcast %broadcast_in_dim3A_76 : vector<4x20x1xf32> to vector<4x20x640xf32>
      %eq3A_77 = arith.cmpf oeq, %scan3A_69, %eq3A : vector<4x20x640xf32>
      %jit3A = arith.constant 1073741824 : i32
      %broadcast_in_dim3A_78 = vector.broadcast %jit3A : i32 to vector<4x20x640xi32>
      %select_n3A = arith.select %eq3A_77, %iota3A, %broadcast_in_dim3A_78 : vector<4x20x640xi1>, vector<4x20x640xi32>
      %reduce_min3A = arith.constant dense<2147483647> : vector<4x20xi32>
      %reduce_min3A_79 = vector.multi_reduction <minsi>, %select_n3A, %reduce_min3A [2] : vector<4x20x640xi32> to vector<4x20xi32>
      %broadcast_in_dim3A_80 = vector.shape_cast %reduce_min3A_79 : vector<4x20xi32> to vector<4x20x1xi32>
      %eq3A_81 = vector.broadcast %broadcast_in_dim3A_80 : vector<4x20x1xi32> to vector<4x20x640xi32>
      %eq3A_82 = arith.cmpi eq, %iota3A, %eq3A_81 : vector<4x20x640xi32>
      %jit3A_83 = arith.constant 0.000000e+00 : f32
      %broadcast_in_dim3A_84 = vector.broadcast %jit3A_83 : f32 to vector<4x20x640xf32>
      %select_n3A_85 = arith.select %eq3A_82, %get3A_6, %broadcast_in_dim3A_84 : vector<4x20x640xi1>, vector<4x20x640xf32>
      %reduce_sum3A = arith.constant dense<0.000000e+00> : vector<4x20xf32>
      %reduce_sum3A_86 = vector.multi_reduction <add>, %select_n3A_85, %reduce_sum3A [2] : vector<4x20x640xf32> to vector<4x20xf32>
      %broadcast_in_dim3A_87 = vector.shape_cast %reduce_sum3A_86 : vector<4x20xf32> to vector<4x20x1xf32>
      %jit3A_88 = arith.constant 0.000000e+00 : f32
      %broadcast_in_dim3A_89 = vector.broadcast %jit3A_88 : f32 to vector<4x20x640xf32>
      %select_n3A_90 = arith.select %eq3A_82, %get3A_10, %broadcast_in_dim3A_89 : vector<4x20x640xi1>, vector<4x20x640xf32>
      %reduce_sum3A_91 = arith.constant dense<0.000000e+00> : vector<4x20xf32>
      %reduce_sum3A_92 = vector.multi_reduction <add>, %select_n3A_90, %reduce_sum3A_91 [2] : vector<4x20x640xf32> to vector<4x20xf32>
      %broadcast_in_dim3A_93 = vector.shape_cast %reduce_sum3A_92 : vector<4x20xf32> to vector<4x20x1xf32>
      %jit3A_94 = arith.constant 0.000000e+00 : f32
      %broadcast_in_dim3A_95 = vector.broadcast %jit3A_94 : f32 to vector<4x20x640xf32>
      %select_n3A_96 = arith.select %eq3A_82, %get3A_14, %broadcast_in_dim3A_95 : vector<4x20x640xi1>, vector<4x20x640xf32>
      %reduce_sum3A_97 = arith.constant dense<0.000000e+00> : vector<4x20xf32>
      %reduce_sum3A_98 = vector.multi_reduction <add>, %select_n3A_96, %reduce_sum3A_97 [2] : vector<4x20x640xf32> to vector<4x20xf32>
      %broadcast_in_dim3A_99 = vector.shape_cast %reduce_sum3A_98 : vector<4x20xf32> to vector<4x20x1xf32>
      %jit3A_100 = arith.constant 0.000000e+00 : f32
      %broadcast_in_dim3A_101 = vector.broadcast %jit3A_100 : f32 to vector<4x20x640xf32>
      %select_n3A_102 = arith.select %eq3A_82, %get3A_18, %broadcast_in_dim3A_101 : vector<4x20x640xi1>, vector<4x20x640xf32>
      %reduce_sum3A_103 = arith.constant dense<0.000000e+00> : vector<4x20xf32>
      %reduce_sum3A_104 = vector.multi_reduction <add>, %select_n3A_102, %reduce_sum3A_103 [2] : vector<4x20x640xf32> to vector<4x20xf32>
      %broadcast_in_dim3A_105 = vector.shape_cast %reduce_sum3A_104 : vector<4x20xf32> to vector<4x20x1xf32>
      %max3A = vector.broadcast %broadcast_in_dim3A_87 : vector<4x20x1xf32> to vector<4x20x640xf32>
      %max3A_106 = arith.maximumf %max3A, %get3A_6 : vector<4x20x640xf32>
      %max3A_107 = vector.broadcast %broadcast_in_dim3A_93 : vector<4x20x1xf32> to vector<4x20x640xf32>
      %max3A_108 = arith.maximumf %max3A_107, %get3A_10 : vector<4x20x640xf32>
      %min3A = vector.broadcast %broadcast_in_dim3A_99 : vector<4x20x1xf32> to vector<4x20x640xf32>
      %min3A_109 = arith.minimumf %min3A, %get3A_14 : vector<4x20x640xf32>
      %min3A_110 = vector.broadcast %broadcast_in_dim3A_105 : vector<4x20x1xf32> to vector<4x20x640xf32>
      %min3A_111 = arith.minimumf %min3A_110, %get3A_18 : vector<4x20x640xf32>
      %sub3A_112 = arith.subf %min3A_109, %max3A_106 : vector<4x20x640xf32>
      %max3A_113 = arith.constant 0.000000e+00 : f32
      %max3A_114 = vector.broadcast %max3A_113 : f32 to vector<4x20x640xf32>
      %max3A_115 = arith.maximumf %max3A_114, %sub3A_112 : vector<4x20x640xf32>
      %sub3A_116 = arith.subf %min3A_111, %max3A_108 : vector<4x20x640xf32>
      %max3A_117 = arith.constant 0.000000e+00 : f32
      %max3A_118 = vector.broadcast %max3A_117 : f32 to vector<4x20x640xf32>
      %max3A_119 = arith.maximumf %max3A_118, %sub3A_116 : vector<4x20x640xf32>
      %mul3A_120 = arith.mulf %max3A_115, %max3A_119 : vector<4x20x640xf32>
      %sub3A_121 = arith.subf %broadcast_in_dim3A_99, %broadcast_in_dim3A_87 : vector<4x20x1xf32>
      %sub3A_122 = arith.subf %broadcast_in_dim3A_105, %broadcast_in_dim3A_93 : vector<4x20x1xf32>
      %mul3A_123 = arith.mulf %sub3A_121, %sub3A_122 : vector<4x20x1xf32>
      %add3A = vector.broadcast %mul3A_123 : vector<4x20x1xf32> to vector<4x20x640xf32>
      %add3A_124 = arith.addf %add3A, %mul3A : vector<4x20x640xf32>
      %sub3A_125 = arith.subf %add3A_124, %mul3A_120 : vector<4x20x640xf32>
      %gt3A = arith.constant 0.000000e+00 : f32
      %gt3A_126 = vector.broadcast %gt3A : f32 to vector<4x20x640xf32>
      %gt3A_127 = arith.cmpf ogt, %sub3A_125, %gt3A_126 : vector<4x20x640xf32>
      %max3A_128 = arith.constant 9.99999996E-13 : f32
      %max3A_129 = vector.broadcast %max3A_128 : f32 to vector<4x20x640xf32>
      %max3A_130 = arith.maximumf %sub3A_125, %max3A_129 : vector<4x20x640xf32>
      %div3A = arith.divf %mul3A_120, %max3A_130 : vector<4x20x640xf32>
      %jit3A_131 = arith.constant 0.000000e+00 : f32
      %broadcast_in_dim3A_132 = vector.broadcast %jit3A_131 : f32 to vector<4x20x640xf32>
      %select_n3A_133 = arith.select %gt3A_127, %div3A, %broadcast_in_dim3A_132 : vector<4x20x640xi1>, vector<4x20x640xf32>
      %le3A = arith.constant 4.500000e-01 : f32
      %le3A_134 = vector.broadcast %le3A : f32 to vector<4x20x640xf32>
      %le3A_135 = arith.cmpf ole, %select_n3A_133, %le3A_134 : vector<4x20x640xf32>
      %jit3A_136 = arith.constant 0xFF800000 : f32
      %broadcast_in_dim3A_137 = vector.broadcast %jit3A_136 : f32 to vector<4x20x640xf32>
      %select_n3A_138 = arith.select %le3A_135, %scan3A_69, %broadcast_in_dim3A_137 : vector<4x20x640xi1>, vector<4x20x640xf32>
      %jit3A_139 = arith.constant 0xFF800000 : f32
      %broadcast_in_dim3A_140 = vector.broadcast %jit3A_139 : f32 to vector<4x20x640xf32>
      %select_n3A_141 = arith.select %eq3A_82, %broadcast_in_dim3A_140, %select_n3A_138 : vector<4x20x640xi1>, vector<4x20x640xf32>
      %gt3A_142 = arith.constant 0xFF800000 : f32
      %gt3A_143 = vector.broadcast %gt3A_142 : f32 to vector<4x20x1xf32>
      %gt3A_144 = arith.cmpf ogt, %broadcast_in_dim3A_76, %gt3A_143 : vector<4x20x1xf32>
      %broadcast_in_dim3A_145 = vector.shape_cast %gt3A_144 : vector<4x20x1xi1> to vector<4x20x1xi1>
      %broadcast_in_dim3A_146 = vector.broadcast %broadcast_in_dim3A_145 : vector<4x20x1xi1> to vector<4x20x640xi1>
      %select_n3A_147 = arith.select %broadcast_in_dim3A_146, %select_n3A_141, %scan3A_69 : vector<4x20x640xi1>, vector<4x20x640xf32>
      %eq3A_148 = vector.broadcast %scan3A_68 : i32 to vector<4x20x200xi32>
      %eq3A_149 = arith.cmpi eq, %iota3A_20, %eq3A_148 : vector<4x20x200xi32>
      %jit3A_150 = arith.constant 0xFF800000 : f32
      %broadcast_in_dim3A_151 = vector.broadcast %jit3A_150 : f32 to vector<4x20x1xf32>
      %select_n3A_152 = arith.select %gt3A_144, %broadcast_in_dim3A_76, %broadcast_in_dim3A_151 : vector<4x20x1xi1>, vector<4x20x1xf32>
      %broadcast_in_dim3A_153 = vector.shape_cast %select_n3A_152 : vector<4x20x1xf32> to vector<4x20x1xf32>
      %broadcast_in_dim3A_154 = vector.broadcast %broadcast_in_dim3A_153 : vector<4x20x1xf32> to vector<4x20x200xf32>
      %select_n3A_155 = arith.select %eq3A_149, %broadcast_in_dim3A_154, %scan3A_70 : vector<4x20x200xi1>, vector<4x20x200xf32>
      %broadcast_in_dim3A_156 = vector.shape_cast %broadcast_in_dim3A_87 : vector<4x20x1xf32> to vector<4x20x1xf32>
      %broadcast_in_dim3A_157 = vector.broadcast %broadcast_in_dim3A_156 : vector<4x20x1xf32> to vector<4x20x200xf32>
      %select_n3A_158 = arith.select %eq3A_149, %broadcast_in_dim3A_157, %scan3A_71 : vector<4x20x200xi1>, vector<4x20x200xf32>
      %broadcast_in_dim3A_159 = vector.shape_cast %broadcast_in_dim3A_93 : vector<4x20x1xf32> to vector<4x20x1xf32>
      %broadcast_in_dim3A_160 = vector.broadcast %broadcast_in_dim3A_159 : vector<4x20x1xf32> to vector<4x20x200xf32>
      %select_n3A_161 = arith.select %eq3A_149, %broadcast_in_dim3A_160, %scan3A_72 : vector<4x20x200xi1>, vector<4x20x200xf32>
      %broadcast_in_dim3A_162 = vector.shape_cast %broadcast_in_dim3A_99 : vector<4x20x1xf32> to vector<4x20x1xf32>
      %broadcast_in_dim3A_163 = vector.broadcast %broadcast_in_dim3A_162 : vector<4x20x1xf32> to vector<4x20x200xf32>
      %select_n3A_164 = arith.select %eq3A_149, %broadcast_in_dim3A_163, %scan3A_73 : vector<4x20x200xi1>, vector<4x20x200xf32>
      %broadcast_in_dim3A_165 = vector.shape_cast %broadcast_in_dim3A_105 : vector<4x20x1xf32> to vector<4x20x1xf32>
      %broadcast_in_dim3A_166 = vector.broadcast %broadcast_in_dim3A_165 : vector<4x20x1xf32> to vector<4x20x200xf32>
      %select_n3A_167 = arith.select %eq3A_149, %broadcast_in_dim3A_166, %scan3A_74 : vector<4x20x200xi1>, vector<4x20x200xf32>
      scf.yield %select_n3A_147, %select_n3A_155, %select_n3A_158, %select_n3A_161, %select_n3A_164, %select_n3A_167 : vector<4x20x640xf32>, vector<4x20x200xf32>, vector<4x20x200xf32>, vector<4x20x200xf32>, vector<4x20x200xf32>, vector<4x20x200xf32>
    }
    %scan3A_28 = arith.constant 200 : i32
    %iota3A_29 = tpu.iota {dimensions = array<i32: 1>} : vector<4x20x1xi32>
    %iota3A_30 = tpu.iota {dimensions = array<i32: 2>} : vector<4x1x200xi32>
    %broadcast_in_dim3A_31 = arith.constant 0.000000e+00 : f32
    %broadcast_in_dim3A_32 = vector.broadcast %broadcast_in_dim3A_31 : f32 to vector<4x1x200xf32>
    %broadcast_in_dim3A_33 = arith.constant 0 : i32
    %broadcast_in_dim3A_34 = vector.broadcast %broadcast_in_dim3A_33 : i32 to vector<4x20x1xi32>
    %slice3A = vector.extract_strided_slice %scan3A_27#1 {offsets = [0, 0, 0], sizes = [4, 20, 1], strides = [1, 1, 1]} : vector<4x20x200xf32> to vector<4x20x1xf32>
    %slice3A_35 = vector.extract_strided_slice %scan3A_27#2 {offsets = [0, 0, 0], sizes = [4, 20, 1], strides = [1, 1, 1]} : vector<4x20x200xf32> to vector<4x20x1xf32>
    %slice3A_36 = vector.extract_strided_slice %scan3A_27#3 {offsets = [0, 0, 0], sizes = [4, 20, 1], strides = [1, 1, 1]} : vector<4x20x200xf32> to vector<4x20x1xf32>
    %slice3A_37 = vector.extract_strided_slice %scan3A_27#4 {offsets = [0, 0, 0], sizes = [4, 20, 1], strides = [1, 1, 1]} : vector<4x20x200xf32> to vector<4x20x1xf32>
    %slice3A_38 = vector.extract_strided_slice %scan3A_27#5 {offsets = [0, 0, 0], sizes = [4, 20, 1], strides = [1, 1, 1]} : vector<4x20x200xf32> to vector<4x20x1xf32>
    %scan3A_39 = arith.constant 0 : i32
    %scan3A_40 = arith.constant 200 : i32
    %scan3A_41 = arith.addi %scan3A_39, %scan3A_40 : i32
    %scan3A_42 = arith.constant 1 : i32
    %scan3A_43:12 = scf.for %scan3A_68 = %scan3A_39 to %scan3A_41 step %scan3A_42 iter_args(%scan3A_69 = %broadcast_in_dim3A_34, %scan3A_70 = %slice3A, %scan3A_71 = %slice3A_35, %scan3A_72 = %slice3A_36, %scan3A_73 = %slice3A_37, %scan3A_74 = %slice3A_38, %scan3A_75 = %broadcast_in_dim3A_32, %scan3A_76 = %broadcast_in_dim3A_32, %scan3A_77 = %broadcast_in_dim3A_32, %scan3A_78 = %broadcast_in_dim3A_32, %scan3A_79 = %broadcast_in_dim3A_32, %scan3A_80 = %broadcast_in_dim3A_32) -> (vector<4x20x1xi32>, vector<4x20x1xf32>, vector<4x20x1xf32>, vector<4x20x1xf32>, vector<4x20x1xf32>, vector<4x20x1xf32>, vector<4x1x200xf32>, vector<4x1x200xf32>, vector<4x1x200xf32>, vector<4x1x200xf32>, vector<4x1x200xf32>, vector<4x1x200xf32>)  : i32 {
      %reduce_max3A = arith.constant dense<0xFF800000> : vector<4x1xf32>
      %reduce_max3A_81 = vector.multi_reduction <maximumf>, %scan3A_70, %reduce_max3A [1] : vector<4x20x1xf32> to vector<4x1xf32>
      %broadcast_in_dim3A_82 = vector.shape_cast %reduce_max3A_81 : vector<4x1xf32> to vector<4x1x1xf32>
      %eq3A = vector.broadcast %broadcast_in_dim3A_82 : vector<4x1x1xf32> to vector<4x20x1xf32>
      %eq3A_83 = arith.cmpf oeq, %scan3A_70, %eq3A : vector<4x20x1xf32>
      %jit3A = arith.constant 1073741824 : i32
      %broadcast_in_dim3A_84 = vector.broadcast %jit3A : i32 to vector<4x20x1xi32>
      %select_n3A = arith.select %eq3A_83, %iota3A_29, %broadcast_in_dim3A_84 : vector<4x20x1xi1>, vector<4x20x1xi32>
      %reduce_min3A = arith.constant dense<2147483647> : vector<4x1xi32>
      %reduce_min3A_85 = vector.multi_reduction <minsi>, %select_n3A, %reduce_min3A [1] : vector<4x20x1xi32> to vector<4x1xi32>
      %broadcast_in_dim3A_86 = vector.shape_cast %reduce_min3A_85 : vector<4x1xi32> to vector<4x1x1xi32>
      %gt3A = arith.constant 0xFF800000 : f32
      %gt3A_87 = vector.broadcast %gt3A : f32 to vector<4x1x1xf32>
      %gt3A_88 = arith.cmpf ogt, %broadcast_in_dim3A_82, %gt3A_87 : vector<4x1x1xf32>
      %eq3A_89 = vector.broadcast %broadcast_in_dim3A_86 : vector<4x1x1xi32> to vector<4x20x1xi32>
      %eq3A_90 = arith.cmpi eq, %iota3A_29, %eq3A_89 : vector<4x20x1xi32>
      %broadcast_in_dim3A_91 = arith.constant 0.000000e+00 : f32
      %broadcast_in_dim3A_92 = vector.broadcast %broadcast_in_dim3A_91 : f32 to vector<4x1x1xf32>
      %eq3A_93 = vector.broadcast %scan3A_68 : i32 to vector<4x1x200xi32>
      %eq3A_94 = arith.cmpi eq, %iota3A_30, %eq3A_93 : vector<4x1x200xi32>
      %add3A = arith.constant 1 : i32
      %add3A_95 = vector.broadcast %add3A : i32 to vector<4x1x1xi32>
      %add3A_96 = arith.addi %broadcast_in_dim3A_86, %add3A_95 : vector<4x1x1xi32>
      %convert_element_type3A = arith.sitofp %add3A_96 : vector<4x1x1xi32> to vector<4x1x1xf32>
      %select_n3A_97 = arith.select %gt3A_88, %convert_element_type3A, %broadcast_in_dim3A_92 : vector<4x1x1xi1>, vector<4x1x1xf32>
      %broadcast_in_dim3A_98 = vector.shape_cast %select_n3A_97 : vector<4x1x1xf32> to vector<4x1x1xf32>
      %broadcast_in_dim3A_99 = vector.broadcast %broadcast_in_dim3A_98 : vector<4x1x1xf32> to vector<4x1x200xf32>
      %select_n3A_100 = arith.select %eq3A_94, %broadcast_in_dim3A_99, %scan3A_75 : vector<4x1x200xi1>, vector<4x1x200xf32>
      %select_n3A_101 = arith.select %gt3A_88, %broadcast_in_dim3A_82, %broadcast_in_dim3A_92 : vector<4x1x1xi1>, vector<4x1x1xf32>
      %broadcast_in_dim3A_102 = vector.shape_cast %select_n3A_101 : vector<4x1x1xf32> to vector<4x1x1xf32>
      %broadcast_in_dim3A_103 = vector.broadcast %broadcast_in_dim3A_102 : vector<4x1x1xf32> to vector<4x1x200xf32>
      %select_n3A_104 = arith.select %eq3A_94, %broadcast_in_dim3A_103, %scan3A_76 : vector<4x1x200xi1>, vector<4x1x200xf32>
      %jit3A_105 = arith.constant 0.000000e+00 : f32
      %broadcast_in_dim3A_106 = vector.broadcast %jit3A_105 : f32 to vector<4x20x1xf32>
      %select_n3A_107 = arith.select %eq3A_90, %scan3A_71, %broadcast_in_dim3A_106 : vector<4x20x1xi1>, vector<4x20x1xf32>
      %reduce_sum3A = arith.constant dense<0.000000e+00> : vector<4x1xf32>
      %reduce_sum3A_108 = vector.multi_reduction <add>, %select_n3A_107, %reduce_sum3A [1] : vector<4x20x1xf32> to vector<4x1xf32>
      %broadcast_in_dim3A_109 = vector.shape_cast %reduce_sum3A_108 : vector<4x1xf32> to vector<4x1x1xf32>
      %select_n3A_110 = arith.select %gt3A_88, %broadcast_in_dim3A_109, %broadcast_in_dim3A_92 : vector<4x1x1xi1>, vector<4x1x1xf32>
      %broadcast_in_dim3A_111 = vector.shape_cast %select_n3A_110 : vector<4x1x1xf32> to vector<4x1x1xf32>
      %broadcast_in_dim3A_112 = vector.broadcast %broadcast_in_dim3A_111 : vector<4x1x1xf32> to vector<4x1x200xf32>
      %select_n3A_113 = arith.select %eq3A_94, %broadcast_in_dim3A_112, %scan3A_77 : vector<4x1x200xi1>, vector<4x1x200xf32>
      %jit3A_114 = arith.constant 0.000000e+00 : f32
      %broadcast_in_dim3A_115 = vector.broadcast %jit3A_114 : f32 to vector<4x20x1xf32>
      %select_n3A_116 = arith.select %eq3A_90, %scan3A_72, %broadcast_in_dim3A_115 : vector<4x20x1xi1>, vector<4x20x1xf32>
      %reduce_sum3A_117 = arith.constant dense<0.000000e+00> : vector<4x1xf32>
      %reduce_sum3A_118 = vector.multi_reduction <add>, %select_n3A_116, %reduce_sum3A_117 [1] : vector<4x20x1xf32> to vector<4x1xf32>
      %broadcast_in_dim3A_119 = vector.shape_cast %reduce_sum3A_118 : vector<4x1xf32> to vector<4x1x1xf32>
      %select_n3A_120 = arith.select %gt3A_88, %broadcast_in_dim3A_119, %broadcast_in_dim3A_92 : vector<4x1x1xi1>, vector<4x1x1xf32>
      %broadcast_in_dim3A_121 = vector.shape_cast %select_n3A_120 : vector<4x1x1xf32> to vector<4x1x1xf32>
      %broadcast_in_dim3A_122 = vector.broadcast %broadcast_in_dim3A_121 : vector<4x1x1xf32> to vector<4x1x200xf32>
      %select_n3A_123 = arith.select %eq3A_94, %broadcast_in_dim3A_122, %scan3A_78 : vector<4x1x200xi1>, vector<4x1x200xf32>
      %jit3A_124 = arith.constant 0.000000e+00 : f32
      %broadcast_in_dim3A_125 = vector.broadcast %jit3A_124 : f32 to vector<4x20x1xf32>
      %select_n3A_126 = arith.select %eq3A_90, %scan3A_73, %broadcast_in_dim3A_125 : vector<4x20x1xi1>, vector<4x20x1xf32>
      %reduce_sum3A_127 = arith.constant dense<0.000000e+00> : vector<4x1xf32>
      %reduce_sum3A_128 = vector.multi_reduction <add>, %select_n3A_126, %reduce_sum3A_127 [1] : vector<4x20x1xf32> to vector<4x1xf32>
      %broadcast_in_dim3A_129 = vector.shape_cast %reduce_sum3A_128 : vector<4x1xf32> to vector<4x1x1xf32>
      %select_n3A_130 = arith.select %gt3A_88, %broadcast_in_dim3A_129, %broadcast_in_dim3A_92 : vector<4x1x1xi1>, vector<4x1x1xf32>
      %broadcast_in_dim3A_131 = vector.shape_cast %select_n3A_130 : vector<4x1x1xf32> to vector<4x1x1xf32>
      %broadcast_in_dim3A_132 = vector.broadcast %broadcast_in_dim3A_131 : vector<4x1x1xf32> to vector<4x1x200xf32>
      %select_n3A_133 = arith.select %eq3A_94, %broadcast_in_dim3A_132, %scan3A_79 : vector<4x1x200xi1>, vector<4x1x200xf32>
      %jit3A_134 = arith.constant 0.000000e+00 : f32
      %broadcast_in_dim3A_135 = vector.broadcast %jit3A_134 : f32 to vector<4x20x1xf32>
      %select_n3A_136 = arith.select %eq3A_90, %scan3A_74, %broadcast_in_dim3A_135 : vector<4x20x1xi1>, vector<4x20x1xf32>
      %reduce_sum3A_137 = arith.constant dense<0.000000e+00> : vector<4x1xf32>
      %reduce_sum3A_138 = vector.multi_reduction <add>, %select_n3A_136, %reduce_sum3A_137 [1] : vector<4x20x1xf32> to vector<4x1xf32>
      %broadcast_in_dim3A_139 = vector.shape_cast %reduce_sum3A_138 : vector<4x1xf32> to vector<4x1x1xf32>
      %select_n3A_140 = arith.select %gt3A_88, %broadcast_in_dim3A_139, %broadcast_in_dim3A_92 : vector<4x1x1xi1>, vector<4x1x1xf32>
      %broadcast_in_dim3A_141 = vector.shape_cast %select_n3A_140 : vector<4x1x1xf32> to vector<4x1x1xf32>
      %broadcast_in_dim3A_142 = vector.broadcast %broadcast_in_dim3A_141 : vector<4x1x1xf32> to vector<4x1x200xf32>
      %select_n3A_143 = arith.select %eq3A_94, %broadcast_in_dim3A_142, %scan3A_80 : vector<4x1x200xi1>, vector<4x1x200xf32>
      %convert_element_type3A_144 = arith.extui %eq3A_90 : vector<4x20x1xi1> to vector<4x20x1xi32>
      %add3A_145 = arith.addi %scan3A_69, %convert_element_type3A_144 : vector<4x20x1xi32>
      %eq3A_146 = vector.broadcast %add3A_145 : vector<4x20x1xi32> to vector<4x20x200xi32>
      %eq3A_147 = arith.cmpi eq, %iota3A_20, %eq3A_146 : vector<4x20x200xi32>
      %lt3A = arith.constant 200 : i32
      %lt3A_148 = vector.broadcast %lt3A : i32 to vector<4x20x1xi32>
      %lt3A_149 = arith.cmpi slt, %add3A_145, %lt3A_148 : vector<4x20x1xi32>
      %jit3A_150 = arith.constant 0.000000e+00 : f32
      %broadcast_in_dim3A_151 = vector.broadcast %jit3A_150 : f32 to vector<4x20x200xf32>
      %select_n3A_152 = arith.select %eq3A_147, %scan3A_27#1, %broadcast_in_dim3A_151 : vector<4x20x200xi1>, vector<4x20x200xf32>
      %reduce_sum3A_153 = arith.constant dense<0.000000e+00> : vector<4x20xf32>
      %reduce_sum3A_154 = vector.multi_reduction <add>, %select_n3A_152, %reduce_sum3A_153 [2] : vector<4x20x200xf32> to vector<4x20xf32>
      %broadcast_in_dim3A_155 = vector.shape_cast %reduce_sum3A_154 : vector<4x20xf32> to vector<4x20x1xf32>
      %jit3A_156 = arith.constant 0xFF800000 : f32
      %broadcast_in_dim3A_157 = vector.broadcast %jit3A_156 : f32 to vector<4x20x1xf32>
      %select_n3A_158 = arith.select %lt3A_149, %broadcast_in_dim3A_155, %broadcast_in_dim3A_157 : vector<4x20x1xi1>, vector<4x20x1xf32>
      %jit3A_159 = arith.constant 0.000000e+00 : f32
      %broadcast_in_dim3A_160 = vector.broadcast %jit3A_159 : f32 to vector<4x20x200xf32>
      %select_n3A_161 = arith.select %eq3A_147, %scan3A_27#2, %broadcast_in_dim3A_160 : vector<4x20x200xi1>, vector<4x20x200xf32>
      %reduce_sum3A_162 = arith.constant dense<0.000000e+00> : vector<4x20xf32>
      %reduce_sum3A_163 = vector.multi_reduction <add>, %select_n3A_161, %reduce_sum3A_162 [2] : vector<4x20x200xf32> to vector<4x20xf32>
      %broadcast_in_dim3A_164 = vector.shape_cast %reduce_sum3A_163 : vector<4x20xf32> to vector<4x20x1xf32>
      %jit3A_165 = arith.constant 0.000000e+00 : f32
      %broadcast_in_dim3A_166 = vector.broadcast %jit3A_165 : f32 to vector<4x20x200xf32>
      %select_n3A_167 = arith.select %eq3A_147, %scan3A_27#3, %broadcast_in_dim3A_166 : vector<4x20x200xi1>, vector<4x20x200xf32>
      %reduce_sum3A_168 = arith.constant dense<0.000000e+00> : vector<4x20xf32>
      %reduce_sum3A_169 = vector.multi_reduction <add>, %select_n3A_167, %reduce_sum3A_168 [2] : vector<4x20x200xf32> to vector<4x20xf32>
      %broadcast_in_dim3A_170 = vector.shape_cast %reduce_sum3A_169 : vector<4x20xf32> to vector<4x20x1xf32>
      %jit3A_171 = arith.constant 0.000000e+00 : f32
      %broadcast_in_dim3A_172 = vector.broadcast %jit3A_171 : f32 to vector<4x20x200xf32>
      %select_n3A_173 = arith.select %eq3A_147, %scan3A_27#4, %broadcast_in_dim3A_172 : vector<4x20x200xi1>, vector<4x20x200xf32>
      %reduce_sum3A_174 = arith.constant dense<0.000000e+00> : vector<4x20xf32>
      %reduce_sum3A_175 = vector.multi_reduction <add>, %select_n3A_173, %reduce_sum3A_174 [2] : vector<4x20x200xf32> to vector<4x20xf32>
      %broadcast_in_dim3A_176 = vector.shape_cast %reduce_sum3A_175 : vector<4x20xf32> to vector<4x20x1xf32>
      %jit3A_177 = arith.constant 0.000000e+00 : f32
      %broadcast_in_dim3A_178 = vector.broadcast %jit3A_177 : f32 to vector<4x20x200xf32>
      %select_n3A_179 = arith.select %eq3A_147, %scan3A_27#5, %broadcast_in_dim3A_178 : vector<4x20x200xi1>, vector<4x20x200xf32>
      %reduce_sum3A_180 = arith.constant dense<0.000000e+00> : vector<4x20xf32>
      %reduce_sum3A_181 = vector.multi_reduction <add>, %select_n3A_179, %reduce_sum3A_180 [2] : vector<4x20x200xf32> to vector<4x20xf32>
      %broadcast_in_dim3A_182 = vector.shape_cast %reduce_sum3A_181 : vector<4x20xf32> to vector<4x20x1xf32>
      scf.yield %add3A_145, %select_n3A_158, %broadcast_in_dim3A_164, %broadcast_in_dim3A_170, %broadcast_in_dim3A_176, %broadcast_in_dim3A_182, %select_n3A_100, %select_n3A_104, %select_n3A_113, %select_n3A_123, %select_n3A_133, %select_n3A_143 : vector<4x20x1xi32>, vector<4x20x1xf32>, vector<4x20x1xf32>, vector<4x20x1xf32>, vector<4x20x1xf32>, vector<4x20x1xf32>, vector<4x1x200xf32>, vector<4x1x200xf32>, vector<4x1x200xf32>, vector<4x1x200xf32>, vector<4x1x200xf32>, vector<4x1x200xf32>
    }
    %scan3A_44 = arith.constant 200 : i32
    %swap3A = arith.constant 0 : index
    %swap3A_45 = arith.constant 0 : index
    %swap3A_46 = arith.constant 0 : index
    %swap3A_47 = vector.load %arg5[%swap3A, %swap3A_45, %swap3A_46] : memref<4x1x200xf32, #tpu.memory_space<vmem>>, vector<4x1x200xf32>
    tpu.vector_store %arg5[%swap3A, %swap3A_45, %swap3A_46], %scan3A_43#6 {strides = array<i32>} : memref<4x1x200xf32, #tpu.memory_space<vmem>>, vector<4x1x200xf32>,
    %swap3A_48 = arith.constant 0 : index
    %swap3A_49 = arith.constant 0 : index
    %swap3A_50 = arith.constant 0 : index
    %swap3A_51 = vector.load %arg6[%swap3A_48, %swap3A_49, %swap3A_50] : memref<4x1x200xf32, #tpu.memory_space<vmem>>, vector<4x1x200xf32>
    tpu.vector_store %arg6[%swap3A_48, %swap3A_49, %swap3A_50], %scan3A_43#7 {strides = array<i32>} : memref<4x1x200xf32, #tpu.memory_space<vmem>>, vector<4x1x200xf32>,
    %swap3A_52 = arith.constant 0 : index
    %swap3A_53 = arith.constant 0 : index
    %swap3A_54 = arith.constant 0 : index
    %swap3A_55 = vector.load %arg7[%swap3A_52, %swap3A_53, %swap3A_54] : memref<4x1x200xf32, #tpu.memory_space<vmem>>, vector<4x1x200xf32>
    tpu.vector_store %arg7[%swap3A_52, %swap3A_53, %swap3A_54], %scan3A_43#8 {strides = array<i32>} : memref<4x1x200xf32, #tpu.memory_space<vmem>>, vector<4x1x200xf32>,
    %swap3A_56 = arith.constant 0 : index
    %swap3A_57 = arith.constant 0 : index
    %swap3A_58 = arith.constant 0 : index
    %swap3A_59 = vector.load %arg8[%swap3A_56, %swap3A_57, %swap3A_58] : memref<4x1x200xf32, #tpu.memory_space<vmem>>, vector<4x1x200xf32>
    tpu.vector_store %arg8[%swap3A_56, %swap3A_57, %swap3A_58], %scan3A_43#9 {strides = array<i32>} : memref<4x1x200xf32, #tpu.memory_space<vmem>>, vector<4x1x200xf32>,
    %swap3A_60 = arith.constant 0 : index
    %swap3A_61 = arith.constant 0 : index
    %swap3A_62 = arith.constant 0 : index
    %swap3A_63 = vector.load %arg9[%swap3A_60, %swap3A_61, %swap3A_62] : memref<4x1x200xf32, #tpu.memory_space<vmem>>, vector<4x1x200xf32>
    tpu.vector_store %arg9[%swap3A_60, %swap3A_61, %swap3A_62], %scan3A_43#10 {strides = array<i32>} : memref<4x1x200xf32, #tpu.memory_space<vmem>>, vector<4x1x200xf32>,
    %swap3A_64 = arith.constant 0 : index
    %swap3A_65 = arith.constant 0 : index
    %swap3A_66 = arith.constant 0 : index
    %swap3A_67 = vector.load %arg10[%swap3A_64, %swap3A_65, %swap3A_66] : memref<4x1x200xf32, #tpu.memory_space<vmem>>, vector<4x1x200xf32>
    tpu.vector_store %arg10[%swap3A_64, %swap3A_65, %swap3A_66], %scan3A_43#11 {strides = array<i32>} : memref<4x1x200xf32, #tpu.memory_space<vmem>>, vector<4x1x200xf32>,
    return
  }
}

</mosaic_0001>

<sc_bundles>
// kernel: kernel.5.cloned.1.call-start
scs
__scs_entry_jumppad:
0x0: {  	(pc) =	sbr.rel $0x88, $3  }
0x1: {  	(tag) =	ssettag $0x0;
	lr =	simm.s32 $0x1  }
0x2: {  	[smem:$0x3FA0] =	sst lr;
	_ =	strace $0xD0000000  }
0x3: {  	_ = 	snop  }
0x4: {  	_ = 	snop  }
0x5: {  	_ = 	snop  }
0x6: {  	_ = 	snop  }
0x7: {  	_ = 	snop  }
__scs_overlays_trampoline_lowered:
0x8: {  	[smem:$0x3FAF] =	sst s0  }
0x9: {  	[smem:$0x3FB0] =	sst s1  }
0xa: {  	[smem:$0x3FB1] =	sst s2  }
0xb: {  	[smem:$0x3FB2] =	sst s3  }
0xc: {  	[smem:$0x3FB3] =	sst s4  }
0xd: {  	[smem:$0x3FB4] =	sst s5  }
0xe: {  	[smem:$0x3FB5] =	sst s6  }
0xf: {  	[smem:$0x3FB6] =	sst s7  }
0x10: {  	[smem:$0x3FB7] =	sst s8  }
0x11: {  	[smem:$0x3FB8] =	sst s9;
	s0 =	simm.s32 @!p0 $0x0  }
0x12: {  	s1 =	sld [smem:$0x3F9E];
	s0 =	simm.s32 @p0 $0x1  }
0x13: {  	[smem:$0x3FB9] =	sst s0;
	s0 =	simm.s32 @!p1 $0x0  }
0x14: {  	s2 =	sld [smem:$0x3F9D];
	s0 =	simm.s32 @p1 $0x1  }
0x15: {  	[smem:$0x3FBA] =	sst s0;
	s0 =	simm.s32 @!p2 $0x0  }
0x16: {  	s3 =	sld [smem:$0x3FDB];
	s0 =	simm.s32 @p2 $0x1  }
0x17: {  	s4 =	simm.s32 $0x1BF5;
	[smem:$0x3FBC] =	sst s0  }
0x18: {  	s0 =	sld [smem:$0x3F9F];
	_ =	swait.ge [sflag:s4], $0x0  }
0x19: {  	s7 =	sld [smem:$0x3FA0]  }
0x1a: {  	s8 =	sadd.s32 $0xFFFFE003, lr  }
0x1b: {  	s9 =	sadd.s32 $0xFFFFFEF7, lr;
	s5 =	simm.s32 $0xFFFFFFFF;
	p2 =	slt.u32 s8, $0xFFFFF086  }
0x1c: {  	p1 =	slt.u32 s9, $0xF7A;
	s5 =	simm.s32 @!p2 $0x0  }
0x1d: {  	s5 =	simm.s32 @p1 $0x1;
	p0 =	seq.s32 s7, s2  }
0x1e: {  	s7 =	smul.u32 @!p0 $0xF7A, s2;
	p2 =	seq.s32 @!p0 s5, $0x0  }
0x1f: {  	s9 =	smul.u32 $0xF7A, s1;
	s8 =	simm.s32 @!p0 $0x1BF5;
	p2 =	por !p2, p0  }
0x20: {  	[sflag:s8] =	ssyncset.s32 @!p0 $0xFFFFF086;
	s6 =	sadd.s32 @!p0 s3, s7;
	s7 =	simm.s32 @!p0 $0x108  }
0x21: {  	s3 =	sadd.s32 s3, s9;
	s6 =	sadd.s32 @!p0 $0x88, s6;
	s7 =	simm.s32 @p2 $0x1082  }
0x22: {  	[simem:s7], [sflag:s8] =	dma.local @!p0 [hbm:s6], $0xF7A  }
0x23: {  	s9 =	sor.u32 $0xD0000000, s2;
	s6 =	simm.s32 $0x108;
	_ =	swait.ge @!p0 [sflag:s8], $0x0  }
0x24: {  	s3 =	sadd.s32 $0x88, s3;
	s6 =	simm.s32 @!p1 $0x1082;
	[sflag:s4] =	ssyncset.s32 $0xFFFFF086  }
0x25: {  	[simem:s6], [sflag:s4] =	dma.local [hbm:s3], $0xF7A  }
0x26: {  	[smem:$0x3FA0] =	sst s1;
	(tag) =	ssettag s2;
	_ =	strace s9  }
0x27: {  	s1 =	sld [smem:$0x3FB0]  }
0x28: {  	s2 =	sld [smem:$0x3FB1]  }
0x29: {  	s4 =	sld [smem:$0x3FB3]  }
0x2a: {  	p0 =	seq.s32 s5, $0x0;
	s5 =	sld [smem:$0x3FB4]  }
0x2b: {  	s6 =	sld [smem:$0x3FB5]  }
0x2c: {  	s7 =	sld [smem:$0x3FB6]  }
0x2d: {  	s3 =	simm.s32 $0x108;
	s8 =	sld [smem:$0x3FB7]  }
0x2e: {  	s3 =	simm.s32 @!p0 $0x1082;
	s9 =	sld [smem:$0x3FB8]  }
0x2f: {  	lr =	sadd.s32 s0, s3;
	s0 =	sld [smem:$0x3FAF]  }
0x30: {  	s3 =	sld [smem:$0x3FB2]  }
0x31: {  	[smem:$0x3FBB] =	sst s10  }
0x32: {  	s10 =	sld [smem:$0x3FB9];
	_ =	sdelay $0x3  }
0x33: {  	p0 =	seq.s32 s10, $0x1;
	s10 =	sld [smem:$0x3FBB];
	_ =	sdelay $0x3  }
0x34: {  	[smem:$0x3FBB] =	sst s10  }
0x35: {  	s10 =	sld [smem:$0x3FBA];
	_ =	sdelay $0x3  }
0x36: {  	p1 =	seq.s32 s10, $0x1;
	s10 =	sld [smem:$0x3FBB];
	_ =	sdelay $0x3  }
0x37: {  	[smem:$0x3FBB] =	sst s10  }
0x38: {  	s10 =	sld [smem:$0x3FBC]  }
0x39: {  	_ = 	snop;
	(pc) =	sbr.ind lr, $3  }
0x3a: {  	_ = 	snop  }
0x3b: {  	_ = 	snop  }
0x3c: {  	p2 =	seq.s32 s10, $0x1;
	s10 =	sld [smem:$0x3FBB]  }
0x3d: {  	_ =	shalt  }
0x3e: {  	_ =	shalt  }
0x3f: {  	_ =	shalt  }
0x40: {  	_ =	shalt  }
0x41: {  	_ =	shalt  }
0x42: {  	_ =	shalt  }
0x43: {  	_ =	shalt  }
0x44: {  	_ =	shalt  }
0x45: {  	_ =	shalt  }
0x46: {  	_ =	shalt  }
0x47: {  	_ =	shalt  }
0x48: {  	_ =	shalt  }
0x49: {  	_ =	shalt  }
0x4a: {  	_ =	shalt  }
0x4b: {  	_ =	shalt  }
0x4c: {  	_ =	shalt  }
0x4d: {  	_ =	shalt  }
0x4e: {  	_ =	shalt  }
0x4f: {  	_ =	shalt  }
0x50: {  	_ =	shalt  }
0x51: {  	_ =	shalt  }
0x52: {  	_ =	shalt  }
0x53: {  	_ =	shalt  }
0x54: {  	_ =	shalt  }
0x55: {  	_ =	shalt  }
0x56: {  	_ =	shalt  }
0x57: {  	_ =	shalt  }
0x58: {  	_ =	shalt  }
0x59: {  	_ =	shalt  }
0x5a: {  	_ =	shalt  }
0x5b: {  	_ =	shalt  }
0x5c: {  	_ =	shalt  }
0x5d: {  	_ =	shalt  }
0x5e: {  	_ =	shalt  }
0x5f: {  	_ =	shalt  }
0x60: {  	_ =	shalt  }
0x61: {  	_ =	shalt  }
0x62: {  	_ =	shalt  }
0x63: {  	_ =	shalt  }
0x64: {  	_ =	shalt  }
0x65: {  	_ =	shalt  }
0x66: {  	_ =	shalt  }
0x67: {  	_ =	shalt  }
0x68: {  	_ =	shalt  }
0x69: {  	_ =	shalt  }
0x6a: {  	_ =	shalt  }
0x6b: {  	_ =	shalt  }
0x6c: {  	_ =	shalt  }
0x6d: {  	_ =	shalt  }
0x6e: {  	_ =	shalt  }
0x6f: {  	_ =	shalt  }
0x70: {  	_ =	shalt  }
0x71: {  	_ =	shalt  }
0x72: {  	_ =	shalt  }
0x73: {  	_ =	shalt  }
0x74: {  	_ =	shalt  }
0x75: {  	_ =	shalt  }
0x76: {  	_ =	shalt  }
0x77: {  	_ =	shalt  }
0x78: {  	_ =	shalt  }
0x79: {  	_ =	shalt  }
0x7a: {  	_ =	shalt  }
0x7b: {  	_ =	shalt  }
0x7c: {  	_ =	shalt  }
0x7d: {  	_ =	shalt  }
0x7e: {  	_ =	shalt  }
0x7f: {  	_ =	shalt  }
0x80: {  	_ =	shalt  }
0x81: {  	_ =	shalt  }
0x82: {  	_ =	shalt  }
0x83: {  	_ =	shalt  }
0x84: {  	_ =	shalt  }
0x85: {  	_ =	shalt  }
0x86: {  	_ =	shalt  }
0x87: {  	_ =	shalt  }
.Lfunc_end0:
.L_simem_size_0:
called_computation_lowered:
.L_overlay_start_0:
0x88: {  	s2 =	sld [smem:$0x3FD9]  }
0x89: {  	s3 =	sld [smem:$0x3FFE];
	_ =	sdelay $0x1  }
0x8a: {  	s1 =	srdreg.scid  }
0x8b: {  	s0 =	sand.u32 $0x1, s1  }
0x8c: {  	s16 =	sshll.u32 s0, $0xA;
	s2 =	sadd.s32 s3, s2  }
0x8d: {  	s2 =	sadd.s32 s2, s16  }
0x8e: {  	[smem:$0x3FC7] =	sst s2  }
0x8f: {  	_ = 	snop  }
0x90: {  	(tm) =	ssettm $0x1  }
0x91: {  	s17 =	sld [smem:$0x3FFB];
	_ =	sdelay $0x3  }
0x92: {  	_ =	strace s17  }
0x93: {  	s2 =	sld [smem:$0x3FFC];
	_ =	sdelay $0x3  }
0x94: {  	_ =	strace s2  }
0x95: {  	s2 =	sld [smem:$0x3FFD];
	_ =	sdelay $0x3  }
0x96: {  	_ =	strace s2  }
0x97: {  	_ =	strace $0x8FFFFFFF  }
0x98: {  	s18 =	sld [smem:$0x3FDB];
	_ =	sdelay $0x1  }
0x99: {  	s19 =	simm.s32 $_scs_section_size  }
0x9a: {  	s4 =	simm.s32 $_size__tile_overlayer_lowered;
	s5 =	simm.s32 $_tile_overlayer_lowered  }
0x9b: {  	s22 =	simm.s32 $0x1BFF;
	s21 =	sshll.u32 s5, $0x1;
	s2 =	sadd.s32 s19, s18  }
0x9c: {  	s6 =	simm.s32 $0x0;
	s20 =	sshll.u32 s4, $0x1;
	s4 =	sadd.s32 s21, s2  }
0x9d: {  	[timem:s6], [sflag:s22] =	dma.local [hbm:s4], s20  }
0x9e: {  	_ =	swait.ge [sflag:s22], s20  }
0x9f: {  	s3 =	ssub.s32 $0x0, s20;
	[sflag:s22] =	ssyncset.done $0x0  }
0xa0: {  	[sflag:s22] =	ssyncadd.s32 s3;
	_ =	sdelay $0x1  }
0xa1: {  	s23 =	simm.s32 $0x1B8B  }
0xa2: {  	_ =	swait.ge [sflag:s23], $0x1  }
0xa3: {  	[sflag:s23] =	ssyncset.done $0x0  }
0xa4: {  	s25 =	simm.s32 $0x1B8E;
	s24 =	sld [smem:$0x3FFE];
	[sflag:s23] =	ssyncadd.s32 $0xFFFFFFFF  }
0xa5: {  	s26 =	simm.s32 $execute0_lowered;
	[smem:$0x3FD2] =	sst s25  }
0xa6: {  	s4 =	sshll.u32 s26, $0x1;
	_ =	strace $0x80000046;
	[dreg:$0x1] =	wrdreg $0xFFFFFFFF  }
0xa7: {  	s28 =	simm.s32 $_size_execute0_lowered;
	s2 =	sadd.s32 s2, s4;
	[dreg:$0x0] =	wrdreg $0x0  }
0xa8: {  	s4 =	sshll.u32 s28, $0x1;
	[dreg:$0x2] =	wrdreg s2  }
0xa9: {  	[dreg:$0x3] =	wrdreg s4  }
0xaa: {  	[dreg:$0x4] =	wrdreg $0xC0  }
0xab: {  	_ =	task [dreg:s6], $0x5FFFF  }
0xac: {  	[dreg:$0x1] =	wrdreg $0xFFFFFFFF  }
0xad: {  	[dreg:$0x0] =	wrdreg $0x60  }
0xae: {  	[dreg:$0x2] =	wrdreg s24  }
0xaf: {  	[dreg:$0x3] =	wrdreg $0x9  }
0xb0: {  	_ =	task.clear_ibuf [dreg:s6], $0x4FFFF;
	_ =	strace $0x90000046  }
0xb1: {  	s29 =	simm.s32 $0x9;
	_ =	strace $0x80000048  }
0xb2: {  	_ =	swait.ge [sflag:s29], $0x1  }
0xb3: {  	[sflag:s29] =	ssyncadd.s32 $0xFFFFFFFF  }
0xb4: {  	_ =	strace $0x90000048  }
0xb5: {  	_ =	sfence  }
0xb6: {  	s30 =	sld [smem:$0x0];
	_ =	sdelay $0x2  }
0xb7: {  	s31 =	sshll.u32 s1, $0xD;
	s1 =	sshrl.u32 s1, $0x2  }
0xb8: {  	s3 =	sand.u32 $0x4000, s31;
	s1 =	sadd.s32 s1, s30  }
0xb9: {  	s0 =	sor.u32 s3, s0;
	s1 =	sshll.u32 s1, $0x11  }
0xba: {  	s0 =	sor.u32 s1, s0  }
0xbb: {  	s0 =	sadd.s32 $0x8F2B, s0  }
0xbc: {  	[sflag:s0] =	ssyncadd.remote.s32 $0x1  }
0xbd: {  	_ =	sfence.sel $0xFFFF  }
0xbe: {  	[dreg:$0x0] =	wrdreg $0xFFFFFFFF;
	(pc) =	sbr.abs _section_cstart, $3  }
0xbf: {  	[dreg:$0x1] =	wrdreg $0xFFFFFFFF  }
0xc0: {  	_ =	task.clear_ibuf [dreg:s6], $0x2FFFF;
	_ =	strace $0x9FFFFFFF  }
0xc1: {  	(tm) =	ssettm $0x7FFFFFFF  }
tec
execute0_lowered:
.L_overlay_start_1:
0x0: {  	(tag) =	ssettag $0x1  }
0x1: {  	s4 =	rddreg [dreg:$0x0];
	s1 =	simm.s32 $0x0;
	s5 =	stileid.u32  }
0x2: {  	s3 =	srdreg.scid;
	s30 =	simm.s32 $0x80;
	s31 =	simm.s32 $0x200  }
0x3: {  	[smem:$0x7FF] =	sst s1;
	s2 =	sadd.s32 $0x2000, s4;
	s10 =	sshrl.u32 s5, $0x2  }
0x4: {  	s5 =	sshll.u32 s5, $0x1;
	s9 =	sadd.s32 $0x3D000, s4;
	s8 =	sand.u32 $0x1, s3  }
0x5: {  	s3 =	sadd.s32 $0x3D600, s4;
	s6 =	sadd.s32 $0x41200, s4;
	s0 =	smul.u32 $0x2740, s10  }
0x6: {  	s5 =	sand.u32 $0x6, s5;
	s12 =	ssub.s32 $0x2, s8;
	s13 =	smul.u32 $0x14, s10  }
0x7: {  	s10 =	smul.u32 $0x3C00, s10;
	s7 =	sor.u32 s8, s5;
	s5 =	sadd.s32 $0x3F400, s4  }
0x8: {  	s8 =	sadd.s32 $0x44E00, s4;
	s18 =	sshrl.u32 s12, $0x1;
	s0 =	sadd.s32 s0, s4  }
0x9: {  	s11 =	smul.u32 $0x14, s7;
	s7 =	sadd.s32 $0x43000, s4;
	s4 =	ssub.s32 s12, s18  }
0xa: {  	s28 =	sadd.s32 $0x33230, s0;
	s29 =	smax.u32 s4, $0x1;
	s4 =	simm.s32 $0x13A00  }
0xb: {  	s14 =	sshrl.u32 s11, $0x3;
	s19 =	sadd.s32 $0x14, s11;
	s18 =	sshrl.u32 s11, $0x6  }
0xc: {  	s11 =	sshll.u32 s11, $0x4;
	s15 =	sadd.s32 s13, s14;
	s12 =	sshrl.u32 s19, $0x3  }
0xd: {  	s20 =	smul.u32 $0x1400, s18;
	s16 =	sshrl.u32 s15, $0x3;
	s15 =	sshll.u32 s15, $0x7  }
0xe: {  	s17 =	sshll.u32 s16, $0xA;
	s15 =	sand.u32 $0x380, s15;
	s16 =	smul.u32 $0x27400, s16  }
0xf: {  	s11 =	sand.u32 $0x380, s11;
	p0 =	sge.u32 s14, s12;
	s17 =	sor.u32 s15, s17  }
0x10: {  	s21 =	sadd.s32 s10, s20;
	s17 =	sshrl.u32 s17, $0x3;
	s15 =	sor.u32 s15, s16  }
0x11: {  	s11 =	sor.u32 s11, s21;
	s17 =	sadd.s32 s9, s17;
	s15 =	sshrl.u32 s15, $0x3  }
0x12: {  	[dreg:$0x2] =	wrdreg s17;
	s17 =	sadd.s32 $0x1, s14;
	s15 =	sadd.s32 s2, s15  }
0x13: {  	s11 =	sshrl.u32 s11, $0x3;
	[dreg:$0x3] =	wrdreg s15;
	s22 =	sadd.s32 s13, s17  }
0x14: {  	s25 =	sshrl.u32 s17, $0x3;
	s21 =	sshll.u32 s17, $0x7;
	p1 =	sge.u32 s17, s12  }
0x15: {  	s23 =	sshrl.u32 s22, $0x3;
	s16 =	sshll.u32 s22, $0x7;
	s21 =	sand.u32 $0x380, s21  }
0x16: {  	s19 =	sshll.u32 s23, $0xA;
	s16 =	sand.u32 $0x380, s16;
	s18 =	smul.u32 $0x27400, s23  }
0x17: {  	s23 =	sadd.s32 s3, s11;
	s24 =	sor.u32 s16, s19;
	s19 =	sadd.s32 $0x2, s14  }
0x18: {  	[dreg:$0x4] =	wrdreg s23;
	s15 =	sshrl.u32 s24, $0x3;
	s16 =	sor.u32 s16, s18  }
0x19: {  	s13 =	sadd.s32 s13, s19;
	s18 =	smul.u32 $0x1400, s25;
	s24 =	sadd.s32 s5, s11  }
0x1a: {  	s17 =	sshrl.u32 s19, $0x3;
	p2 =	sge.u32 s19, s12;
	s20 =	sshrl.u32 s13, $0x3  }
0x1b: {  	s13 =	sshll.u32 s13, $0x7;
	s15 =	sadd.s32 s9, s15;
	[dreg:$0x7] =	wrdreg s24  }
0x1c: {  	s16 =	sshrl.u32 s16, $0x3;
	s22 =	sshll.u32 s20, $0xA;
	s13 =	sand.u32 $0x380, s13  }
0x1d: {  	s18 =	sadd.s32 s10, s18;
	s20 =	smul.u32 $0x27400, s20;
	[dreg:$0x5] =	wrdreg s15  }
0x1e: {  	s15 =	sadd.s32 s7, s11;
	s22 =	sor.u32 s13, s22;
	s18 =	sor.u32 s21, s18  }
0x1f: {  	[dreg:$0x9] =	wrdreg s15;
	s26 =	sshrl.u32 s22, $0x3;
	s25 =	sor.u32 s13, s20  }
0x20: {  	s20 =	sshrl.u32 s18, $0x3;
	s13 =	smul.u32 $0x1400, s17;
	s9 =	sadd.s32 s9, s26  }
0x21: {  	s22 =	sshll.u32 s19, $0x7;
	s26 =	sadd.s32 s6, s11;
	[dreg:$0x6] =	wrdreg s9  }
0x22: {  	s17 =	simm.s32 $0x4E80;
	s11 =	sadd.s32 s8, s11;
	[dreg:$0x8] =	wrdreg s26  }
0x23: {  	s21 =	sadd.s32 s3, s20;
	s23 =	sadd.s32 s5, s20;
	[dreg:$0xa] =	wrdreg s11  }
0x24: {  	s12 =	sand.u32 $0x380, s22;
	s24 =	sadd.s32 s6, s20;
	[dreg:$0xc] =	wrdreg s21  }
0x25: {  	s18 =	sadd.s32 s8, s20;
	s11 =	sadd.s32 s2, s16;
	[dreg:$0xd] =	wrdreg s23  }
0x26: {  	s10 =	sadd.s32 s10, s13;
	[dreg:$0xe] =	wrdreg s24;
	s9 =	sshrl.u32 s25, $0x3  }
0x27: {  	s25 =	sadd.s32 s7, s20;
	s24 =	sadd.s32 $0x33200, s0;
	[dreg:$0xb] =	wrdreg s11  }
0x28: {  	s10 =	sor.u32 s12, s10;
	s2 =	sadd.s32 s2, s9;
	[dreg:$0x10] =	wrdreg s25  }
0x29: {  	s25 =	sadd.s32 $0x33210, s0;
	s9 =	simm.s32 $0x19180;
	s11 =	simm.s32 $0x19680  }
0x2a: {  	[dreg:$0xf] =	wrdreg s2;
	s26 =	sshrl.u32 s10, $0x3;
	s2 =	simm.s32 $0x9D00  }
.Ltmp0:
0x2b: {  	s10 =	simm.s32 $0x19400;
	s19 =	sadd.s32 s3, s26;
	(pc) =	sbr.rel .LBB2_1-.Ltmp0, $4  }
0x2c: {  	s20 =	sadd.s32 s5, s26;
	s21 =	sadd.s32 s6, s26;
	s22 =	sadd.s32 s7, s26  }
0x2d: {  	s23 =	sadd.s32 s8, s26;
	_ =	strace $0x80000047;
	s26 =	sadd.s32 $0x33220, s0  }
0x2e: {  	s0 =	simm.s32 $0x1;
	s3 =	simm.s32 $0xEB80;
	s5 =	simm.s32 $0x18880  }
0x2f: {  	v0 =	vimm.f32 $-Inf;
	v1 =	vimm.s32 $0x0;
	v2 =	vlaneseq.u32;
	s6 =	simm.s32 $0x400;
	s7 =	simm.s32 $0x18900;
	s8 =	simm.s32 $0x18F00  }
.LBB2_24:
0x30: {  	_ =	sdelay $0x1  }
0x31: {  	v5 =	vld [tilespmem:s14+$0x18C00]  }
0x32: {  	[tilespmem:s12+$0x19400] =	vst v4  }
0x33: {  	v3 =	vld.idx.msk [tilespmem:v3+s4+$0x0], $0xffff;
	_ =	sdelay $0x4  }
0x34: {  	[tilespmem:s12+$0x19680] =	vst v3  }
0x35: {  	v3 =	vld.idx.msk [tilespmem:v5+s17+$0x0], $0xffff;
	_ =	sdelay $0x4  }
0x36: {  	[tilespmem:s14+$0x18F00] =	vst v3  }
0x37: {  	v3 =	vld.idx.msk [tilespmem:v5+s2+$0x0], $0xffff;
	_ =	sdelay $0x4  }
0x38: {  	[tilespmem:s14+$0x19180] =	vst v3  }
0x39: {  	v3 =	vld.idx.msk [tilespmem:v5+s3+$0x0], $0xffff;
	_ =	sdelay $0x4  }
0x3a: {  	[tilespmem:s14+$0x19400] =	vst v3  }
0x3b: {  	v3 =	vld.idx.msk [tilespmem:v5+s4+$0x0], $0xffff;
	_ =	sdelay $0x4  }
0x3c: {  	[tilespmem:s14+$0x19680] =	vst v3  }
0x3d: {  	[hbm4b:s19+s30] =	stream.strided.scatter [tilespmem:s7], [sflag:$0x1], $0x280, s6, s30, $0x38;
	[tilespmem:$0x19900] =	vst v63  }
0x3e: {  	_ =	swait.ge [sflag:s0], $0x280  }
0x3f: {  	[sflag:s0] =	ssyncset.done $0x0  }
0x40: {  	[sflag:s0] =	ssyncadd.s32 $0xFFFFFD80  }
0x41: {  	[hbm4b:s20+s30] =	stream.strided.scatter [tilespmem:s8], [sflag:$0x1], $0x280, s6, s30, $0x38;
	[tilespmem:$0x19900] =	vst v63  }
0x42: {  	_ =	swait.ge [sflag:s0], $0x280  }
0x43: {  	[sflag:s0] =	ssyncset.done $0x0  }
0x44: {  	[sflag:s0] =	ssyncadd.s32 $0xFFFFFD80  }
0x45: {  	[hbm4b:s21+s30] =	stream.strided.scatter [tilespmem:s9], [sflag:$0x1], $0x280, s6, s30, $0x38;
	[tilespmem:$0x19900] =	vst v63  }
0x46: {  	_ =	swait.ge [sflag:s0], $0x280  }
0x47: {  	[sflag:s0] =	ssyncset.done $0x0  }
0x48: {  	[sflag:s0] =	ssyncadd.s32 $0xFFFFFD80  }
0x49: {  	[hbm4b:s22+s30] =	stream.strided.scatter [tilespmem:s10], [sflag:$0x1], $0x280, s6, s30, $0x38;
	[tilespmem:$0x19900] =	vst v63  }
0x4a: {  	_ =	swait.ge [sflag:s0], $0x280  }
0x4b: {  	[sflag:s0] =	ssyncset.done $0x0  }
0x4c: {  	[sflag:s0] =	ssyncadd.s32 $0xFFFFFD80  }
0x4d: {  	[hbm4b:s23+s30] =	stream.strided.scatter [tilespmem:s11], [sflag:$0x1], $0x280, s6, s30, $0x38;
	[tilespmem:$0x19900] =	vst v63  }
0x4e: {  	_ =	swait.ge [sflag:s0], $0x280  }
0x4f: {  	[sflag:s0] =	ssyncset.done $0x0  }
0x50: {  	[sflag:s0] =	ssyncadd.s32 $0xFFFFFD80  }
.LBB2_25:
0x51: {  	s1 =	sadd.s32 $0x1, s1  }
0x52: {  	p3 =	sne.s32 s1, s29  }
.Ltmp1:
0x53: {  	_ = 	snop;
	(pc) =	sbr.rel @!p3 .LBB2_26-.Ltmp1, $1  }
0x54: {  	_ =	sdelay $0x3  }
.LBB2_1:
0x55: {  	[tilespmem:s17], [sflag:$0x1] =	stream.strided.gather [hbm4b:s24+s30], $0x4E80, s31, s30, $0x38;
	[tilespmem:$0x19900] =	vst v63  }
0x56: {  	_ =	swait.ge [sflag:s0], $0x4E80  }
0x57: {  	[sflag:s0] =	ssyncset.done $0x0  }
0x58: {  	[sflag:s0] =	ssyncadd.s32 $0xFFFFB180  }
0x59: {  	[tilespmem:s2], [sflag:$0x1] =	stream.strided.gather [hbm4b:s25+s30], $0x4E80, s31, s30, $0x38;
	[tilespmem:$0x19900] =	vst v63  }
0x5a: {  	_ =	swait.ge [sflag:s0], $0x4E80  }
0x5b: {  	[sflag:s0] =	ssyncset.done $0x0  }
0x5c: {  	[sflag:s0] =	ssyncadd.s32 $0xFFFFB180  }
0x5d: {  	[tilespmem:s3], [sflag:$0x1] =	stream.strided.gather [hbm4b:s26+s30], $0x4E80, s31, s30, $0x38;
	[tilespmem:$0x19900] =	vst v63  }
0x5e: {  	_ =	swait.ge [sflag:s0], $0x4E80  }
0x5f: {  	[sflag:s0] =	ssyncset.done $0x0  }
.Ltmp2:
0x60: {  	[sflag:s0] =	ssyncadd.s32 $0xFFFFB180;
	(pc) =	sbr.rel @p0 .LBB2_9-.Ltmp2, $4  }
0x61: {  	[tilespmem:s4], [sflag:$0x1] =	stream.strided.gather [hbm4b:s28+s30], $0x4E80, s31, s30, $0x38;
	[tilespmem:$0x19900] =	vst v63  }
0x62: {  	_ =	swait.ge [sflag:s0], $0x4E80  }
0x63: {  	[sflag:s0] =	ssyncset.done $0x0  }
0x64: {  	[sflag:s0] =	ssyncadd.s32 $0xFFFFB180  }
0x65: {  	s12 =	simm.s32 $0x0;
	s13 =	rddreg [dreg:$0x2]  }
0x66: {  	[tilespmem:s5], [sflag:$0x1] =	stream.linear.gather [hbm4b:s13+s12], $0x80, $0x38;
	[tilespmem:$0x19900] =	vst v63  }
0x67: {  	_ =	swait.ge [sflag:s0], $0x80  }
0x68: {  	[sflag:s0] =	ssyncset.done $0x0  }
0x69: {  	s16 =	rddreg [dreg:$0x3];
	[sflag:s0] =	ssyncadd.s32 $0xFFFFFF80  }
0x6a: {  	[tilespmem:s12], [sflag:$0x1] =	stream.strided.gather [hbm4b:s16+s30], $0x4E80, s6, s30, $0x38;
	[tilespmem:$0x19900] =	vst v63  }
0x6b: {  	_ =	swait.ge [sflag:s0], $0x4E80  }
0x6c: {  	[sflag:s0] =	ssyncset.done $0x0  }
0x6d: {  	[sflag:s0] =	ssyncadd.s32 $0xFFFFB180  }
0x6e: {  	s14 =	simm.s32 $0x0;
	s13 =	simm.s32 $0x40;
	v3 =	vld [tilespmem:$0x18880]  }
.LBB2_3:
0x6f: {  	p3 =	sne.s32 s13, $0xA00;
	[tilespmem:s14+$0x18900] =	vst v0;
	s15 =	smov.u32 s13;
	s13 =	sadd.s32 $0x40, s13  }
.Ltmp3:
0x70: {  	[tilespmem:s14+$0x18C00] =	vst v1;
	(pc) =	sbr.rel @p3 .LBB2_3-.Ltmp3, $2  }
0x71: {  	_ =	sdelay $0x2  }
0x72: {  	s14 =	sshra.s32 s15, $0x2  }
0x73: {  	[tilespmem:s14+$0x18900] =	vst v0  }
0x74: {  	[tilespmem:s14+$0x18C00] =	vst v1  }
0x75: {  	v4 =	vld [tilespmem:s12+$0x0];
	_ =	sdelay $0x4  }
0x76: {  	vm0 =	vgt.f32 v4, v3  }
0x77: {  	v5 =	vsel vm0, $0x1, v1  }
0x78: {  	(xrf0) =	vadd.scan.msk.s32 $0xffff, v5;
	_ =	sdelay $0x5  }
0x79: {  	v5, _, _ =	vpop (xrf0)  }
0x7a: {  	(v2sf) =	vpush v5, $0xF  }
0x7b: {  	[tilespmem:s12+$0x18900] =	vst.msk vm0, v4;
	v4 =	vor.u32 s12, v2  }
0x7c: {  	s13 =	simm.s32 $0x10;
	[tilespmem:s12+$0x18C00] =	vst.msk vm0, v4  }
0x7d: {  	s14 =	simm.s32 $0x20;
	s15 =	simm.s32 $0x10;
	v4 =	vld [tilespmem:s13+$0x0]  }
.LBB2_5:
0x7e: {  	p3 =	sne.s32 s14, $0x4E10;
	_ =	sdelay $0x3  }
0x7f: {  	vm0 =	vgt.f32 v4, v3  }
0x80: {  	v5 =	vsel vm0, $0x1, v1  }
0x81: {  	(xrf0) =	vadd.scan.msk.s32 $0xffff, v5;
	_ =	sdelay $0x4  }
0x82: {  	s16 =	spop (v2sf)  }
.Ltmp4:
0x83: {  	v5, _, _ =	vpop (xrf0);
	s12 =	sadd.s32 s12, s16;
	(pc) =	sbr.rel @p3 .LBB2_5-.Ltmp4, $4  }
0x84: {  	[tilespmem:s12+$0x18900] =	vst.msk vm0, v4;
	v4 =	vor.u32 s13, v2;
	(v2sf) =	vpush v5, $0xF;
	s13 =	smov.u32 s14  }
0x85: {  	[tilespmem:s12+$0x18C00] =	vst.msk vm0, v4  }
0x86: {  	s15 =	sadd.s32 $0x10, s15  }
0x87: {  	s14 =	sadd.s32 $0x10, s14;
	v4 =	vld [tilespmem:s15+$0x0]  }
0x88: {  	_ =	sdelay $0xa  }
0x89: {  	vm0 =	vgt.f32 v4, v3;
	s14 =	spop (v2sf)  }
0x8a: {  	v3 =	vsel vm0, $0x1, v1;
	s12 =	sadd.s32 s12, s14  }
0x8b: {  	(xrf0) =	vadd.scan.msk.s32 $0xffff, v3;
	v3 =	vor.u32 s13, v2;
	[tilespmem:s12+$0x18900] =	vst.msk vm0, v4  }
0x8c: {  	[tilespmem:s12+$0x18C00] =	vst.msk vm0, v3;
	s12 =	simm.s32 $0x0  }
0x8d: {  	v3 =	vld [tilespmem:s12+$0x18C00];
	_ =	sdelay $0x6  }
0x8e: {  	v4, _, _ =	vpop (xrf0)  }
0x8f: {  	(v2sf) =	vpush v4, $0xF;
	v4 =	vld.idx.msk [tilespmem:v3+s17+$0x0], $0xffff;
	_ =	sdelay $0x4  }
0x90: {  	[tilespmem:s12+$0x18F00] =	vst v4  }
0x91: {  	v4 =	vld.idx.msk [tilespmem:v3+s2+$0x0], $0xffff;
	_ =	sdelay $0x4  }
0x92: {  	[tilespmem:s12+$0x19180] =	vst v4  }
0x93: {  	v4 =	vld.idx.msk [tilespmem:v3+s3+$0x0], $0xffff;
	_ =	sdelay $0x3  }
0x94: {  	s13 =	simm.s32 $0x80;
	s14 =	simm.s32 $0x10;
	s16 =	spop (v2sf)  }
.LBB2_7:
0x95: {  	p3 =	sne.s32 s13, $0x9C0;
	v5 =	vld [tilespmem:s14+$0x18C00];
	[tilespmem:s12+$0x19400] =	vst v4  }
0x96: {  	v4 =	vld.idx.msk [tilespmem:v3+s4+$0x0], $0xffff;
	_ =	sdelay $0x3  }
0x97: {  	v3 =	vmov v5;
	_ =	sdelay $0x1  }
0x98: {  	[tilespmem:s12+$0x19680] =	vst v4;
	s12 =	smov.u32 s14  }
0x99: {  	v4 =	vld.idx.msk [tilespmem:v5+s17+$0x0], $0xffff;
	_ =	sdelay $0x5  }
0x9a: {  	[tilespmem:s12+$0x18F00] =	vst v4  }
0x9b: {  	v4 =	vld.idx.msk [tilespmem:v5+s2+$0x0], $0xffff;
	_ =	sdelay $0x5  }
0x9c: {  	[tilespmem:s12+$0x19180] =	vst v4  }
0x9d: {  	v4 =	vld.idx.msk [tilespmem:v5+s3+$0x0], $0xffff  }
.Ltmp5:
0x9e: {  	(pc) =	sbr.rel @p3 .LBB2_7-.Ltmp5, $2  }
0x9f: {  	_ =	sdelay $0x2  }
0xa0: {  	s14 =	sshra.s32 s13, $0x2;
	s13 =	sadd.s32 $0x40, s13  }
0xa1: {  	_ =	sdelay $0x1  }
0xa2: {  	v5 =	vld [tilespmem:s14+$0x18C00]  }
0xa3: {  	[tilespmem:s12+$0x19400] =	vst v4  }
0xa4: {  	v3 =	vld.idx.msk [tilespmem:v3+s4+$0x0], $0xffff;
	_ =	sdelay $0x4  }
0xa5: {  	[tilespmem:s12+$0x19680] =	vst v3  }
0xa6: {  	v3 =	vld.idx.msk [tilespmem:v5+s17+$0x0], $0xffff;
	_ =	sdelay $0x4  }
0xa7: {  	[tilespmem:s14+$0x18F00] =	vst v3  }
0xa8: {  	v3 =	vld.idx.msk [tilespmem:v5+s2+$0x0], $0xffff;
	_ =	sdelay $0x4  }
0xa9: {  	[tilespmem:s14+$0x19180] =	vst v3  }
0xaa: {  	v3 =	vld.idx.msk [tilespmem:v5+s3+$0x0], $0xffff;
	_ =	sdelay $0x4  }
0xab: {  	[tilespmem:s14+$0x19400] =	vst v3  }
0xac: {  	v3 =	vld.idx.msk [tilespmem:v5+s4+$0x0], $0xffff;
	_ =	sdelay $0x4  }
0xad: {  	s16 =	rddreg [dreg:$0x4];
	[tilespmem:s14+$0x19680] =	vst v3  }
0xae: {  	[hbm4b:s16+s30] =	stream.strided.scatter [tilespmem:s7], [sflag:$0x1], $0x280, s6, s30, $0x38;
	[tilespmem:$0x19900] =	vst v63  }
0xaf: {  	_ =	swait.ge [sflag:s0], $0x280  }
0xb0: {  	[sflag:s0] =	ssyncset.done $0x0  }
0xb1: {  	s13 =	rddreg [dreg:$0x7];
	[sflag:s0] =	ssyncadd.s32 $0xFFFFFD80  }
0xb2: {  	[hbm4b:s13+s30] =	stream.strided.scatter [tilespmem:s8], [sflag:$0x1], $0x280, s6, s30, $0x38;
	[tilespmem:$0x19900] =	vst v63  }
0xb3: {  	_ =	swait.ge [sflag:s0], $0x280  }
0xb4: {  	[sflag:s0] =	ssyncset.done $0x0  }
0xb5: {  	s14 =	rddreg [dreg:$0x8];
	[sflag:s0] =	ssyncadd.s32 $0xFFFFFD80  }
0xb6: {  	[hbm4b:s14+s30] =	stream.strided.scatter [tilespmem:s9], [sflag:$0x1], $0x280, s6, s30, $0x38;
	[tilespmem:$0x19900] =	vst v63  }
0xb7: {  	_ =	swait.ge [sflag:s0], $0x280  }
0xb8: {  	[sflag:s0] =	ssyncset.done $0x0  }
0xb9: {  	s15 =	rddreg [dreg:$0x9];
	[sflag:s0] =	ssyncadd.s32 $0xFFFFFD80  }
0xba: {  	[hbm4b:s15+s30] =	stream.strided.scatter [tilespmem:s10], [sflag:$0x1], $0x280, s6, s30, $0x38;
	[tilespmem:$0x19900] =	vst v63  }
0xbb: {  	_ =	swait.ge [sflag:s0], $0x280  }
0xbc: {  	[sflag:s0] =	ssyncset.done $0x0  }
0xbd: {  	s16 =	rddreg [dreg:$0xa];
	[sflag:s0] =	ssyncadd.s32 $0xFFFFFD80  }
0xbe: {  	[hbm4b:s16+s30] =	stream.strided.scatter [tilespmem:s11], [sflag:$0x1], $0x280, s6, s30, $0x38;
	[tilespmem:$0x19900] =	vst v63  }
0xbf: {  	_ =	swait.ge [sflag:s0], $0x280  }
0xc0: {  	[sflag:s0] =	ssyncset.done $0x0  }
0xc1: {  	[sflag:s0] =	ssyncadd.s32 $0xFFFFFD80  }
.LBB2_9:
.Ltmp6:
0xc2: {  	(pc) =	sbr.rel @p1 .LBB2_17-.Ltmp6, $1  }
0xc3: {  	_ =	sdelay $0x3  }
0xc4: {  	s12 =	simm.s32 $0x0;
	s13 =	rddreg [dreg:$0x5]  }
0xc5: {  	[tilespmem:s5], [sflag:$0x1] =	stream.linear.gather [hbm4b:s13+s12], $0x80, $0x38;
	[tilespmem:$0x19900] =	vst v63  }
0xc6: {  	_ =	swait.ge [sflag:s0], $0x80  }
0xc7: {  	[sflag:s0] =	ssyncset.done $0x0  }
0xc8: {  	s16 =	rddreg [dreg:$0xb];
	[sflag:s0] =	ssyncadd.s32 $0xFFFFFF80  }
0xc9: {  	[tilespmem:s12], [sflag:$0x1] =	stream.strided.gather [hbm4b:s16+s30], $0x4E80, s6, s30, $0x38;
	[tilespmem:$0x19900] =	vst v63  }
0xca: {  	_ =	swait.ge [sflag:s0], $0x4E80  }
0xcb: {  	[sflag:s0] =	ssyncset.done $0x0  }
0xcc: {  	[sflag:s0] =	ssyncadd.s32 $0xFFFFB180  }
0xcd: {  	s14 =	simm.s32 $0x0;
	s13 =	simm.s32 $0x40;
	v3 =	vld [tilespmem:$0x18880]  }
.LBB2_11:
0xce: {  	p3 =	sne.s32 s13, $0xA00;
	[tilespmem:s14+$0x18900] =	vst v0;
	s15 =	smov.u32 s13;
	s13 =	sadd.s32 $0x40, s13  }
.Ltmp7:
0xcf: {  	[tilespmem:s14+$0x18C00] =	vst v1;
	(pc) =	sbr.rel @p3 .LBB2_11-.Ltmp7, $2  }
0xd0: {  	_ =	sdelay $0x2  }
0xd1: {  	s14 =	sshra.s32 s15, $0x2  }
0xd2: {  	[tilespmem:s14+$0x18900] =	vst v0  }
0xd3: {  	[tilespmem:s14+$0x18C00] =	vst v1  }
0xd4: {  	v4 =	vld [tilespmem:s12+$0x0];
	_ =	sdelay $0x4  }
0xd5: {  	vm0 =	vgt.f32 v4, v3  }
0xd6: {  	v5 =	vsel vm0, $0x1, v1  }
0xd7: {  	(xrf0) =	vadd.scan.msk.s32 $0xffff, v5;
	_ =	sdelay $0x5  }
0xd8: {  	v5, _, _ =	vpop (xrf0)  }
0xd9: {  	(v2sf) =	vpush v5, $0xF  }
0xda: {  	[tilespmem:s12+$0x18900] =	vst.msk vm0, v4;
	v4 =	vor.u32 s12, v2  }
0xdb: {  	s13 =	simm.s32 $0x10;
	[tilespmem:s12+$0x18C00] =	vst.msk vm0, v4  }
0xdc: {  	s14 =	simm.s32 $0x20;
	s15 =	simm.s32 $0x10;
	v4 =	vld [tilespmem:s13+$0x0]  }
.LBB2_13:
0xdd: {  	p3 =	sne.s32 s14, $0x4E10;
	_ =	sdelay $0x3  }
0xde: {  	vm0 =	vgt.f32 v4, v3  }
0xdf: {  	v5 =	vsel vm0, $0x1, v1  }
0xe0: {  	(xrf0) =	vadd.scan.msk.s32 $0xffff, v5;
	_ =	sdelay $0x4  }
0xe1: {  	s16 =	spop (v2sf)  }
.Ltmp8:
0xe2: {  	v5, _, _ =	vpop (xrf0);
	s12 =	sadd.s32 s12, s16;
	(pc) =	sbr.rel @p3 .LBB2_13-.Ltmp8, $4  }
0xe3: {  	[tilespmem:s12+$0x18900] =	vst.msk vm0, v4;
	v4 =	vor.u32 s13, v2;
	(v2sf) =	vpush v5, $0xF;
	s13 =	smov.u32 s14  }
0xe4: {  	[tilespmem:s12+$0x18C00] =	vst.msk vm0, v4  }
0xe5: {  	s15 =	sadd.s32 $0x10, s15  }
0xe6: {  	s14 =	sadd.s32 $0x10, s14;
	v4 =	vld [tilespmem:s15+$0x0]  }
0xe7: {  	_ =	sdelay $0xa  }
0xe8: {  	vm0 =	vgt.f32 v4, v3;
	s14 =	spop (v2sf)  }
0xe9: {  	v3 =	vsel vm0, $0x1, v1;
	s12 =	sadd.s32 s12, s14  }
0xea: {  	(xrf0) =	vadd.scan.msk.s32 $0xffff, v3;
	v3 =	vor.u32 s13, v2;
	[tilespmem:s12+$0x18900] =	vst.msk vm0, v4  }
0xeb: {  	[tilespmem:s12+$0x18C00] =	vst.msk vm0, v3;
	s12 =	simm.s32 $0x0  }
0xec: {  	v3 =	vld [tilespmem:s12+$0x18C00];
	_ =	sdelay $0x6  }
0xed: {  	v4, _, _ =	vpop (xrf0)  }
0xee: {  	(v2sf) =	vpush v4, $0xF;
	v4 =	vld.idx.msk [tilespmem:v3+s17+$0x0], $0xffff;
	_ =	sdelay $0x4  }
0xef: {  	[tilespmem:s12+$0x18F00] =	vst v4  }
0xf0: {  	v4 =	vld.idx.msk [tilespmem:v3+s2+$0x0], $0xffff;
	_ =	sdelay $0x4  }
0xf1: {  	[tilespmem:s12+$0x19180] =	vst v4  }
0xf2: {  	v4 =	vld.idx.msk [tilespmem:v3+s3+$0x0], $0xffff;
	_ =	sdelay $0x3  }
0xf3: {  	s13 =	simm.s32 $0x80;
	s14 =	simm.s32 $0x10;
	s16 =	spop (v2sf)  }
.LBB2_15:
0xf4: {  	p3 =	sne.s32 s13, $0x9C0;
	v5 =	vld [tilespmem:s14+$0x18C00];
	[tilespmem:s12+$0x19400] =	vst v4  }
0xf5: {  	v4 =	vld.idx.msk [tilespmem:v3+s4+$0x0], $0xffff;
	_ =	sdelay $0x3  }
0xf6: {  	v3 =	vmov v5;
	_ =	sdelay $0x1  }
0xf7: {  	[tilespmem:s12+$0x19680] =	vst v4;
	s12 =	smov.u32 s14  }
0xf8: {  	v4 =	vld.idx.msk [tilespmem:v5+s17+$0x0], $0xffff;
	_ =	sdelay $0x5  }
0xf9: {  	[tilespmem:s12+$0x18F00] =	vst v4  }
0xfa: {  	v4 =	vld.idx.msk [tilespmem:v5+s2+$0x0], $0xffff;
	_ =	sdelay $0x5  }
0xfb: {  	[tilespmem:s12+$0x19180] =	vst v4  }
0xfc: {  	v4 =	vld.idx.msk [tilespmem:v5+s3+$0x0], $0xffff  }
.Ltmp9:
0xfd: {  	(pc) =	sbr.rel @p3 .LBB2_15-.Ltmp9, $2  }
0xfe: {  	_ =	sdelay $0x2  }
0xff: {  	s14 =	sshra.s32 s13, $0x2;
	s13 =	sadd.s32 $0x40, s13  }
0x100: {  	_ =	sdelay $0x1  }
0x101: {  	v5 =	vld [tilespmem:s14+$0x18C00]  }
0x102: {  	[tilespmem:s12+$0x19400] =	vst v4  }
0x103: {  	v3 =	vld.idx.msk [tilespmem:v3+s4+$0x0], $0xffff;
	_ =	sdelay $0x4  }
0x104: {  	[tilespmem:s12+$0x19680] =	vst v3  }
0x105: {  	v3 =	vld.idx.msk [tilespmem:v5+s17+$0x0], $0xffff;
	_ =	sdelay $0x4  }
0x106: {  	[tilespmem:s14+$0x18F00] =	vst v3  }
0x107: {  	v3 =	vld.idx.msk [tilespmem:v5+s2+$0x0], $0xffff;
	_ =	sdelay $0x4  }
0x108: {  	[tilespmem:s14+$0x19180] =	vst v3  }
0x109: {  	v3 =	vld.idx.msk [tilespmem:v5+s3+$0x0], $0xffff;
	_ =	sdelay $0x4  }
0x10a: {  	[tilespmem:s14+$0x19400] =	vst v3  }
0x10b: {  	v3 =	vld.idx.msk [tilespmem:v5+s4+$0x0], $0xffff;
	_ =	sdelay $0x4  }
0x10c: {  	s13 =	rddreg [dreg:$0xc];
	[tilespmem:s14+$0x19680] =	vst v3  }
0x10d: {  	[hbm4b:s13+s30] =	stream.strided.scatter [tilespmem:s7], [sflag:$0x1], $0x280, s6, s30, $0x38;
	[tilespmem:$0x19900] =	vst v63  }
0x10e: {  	_ =	swait.ge [sflag:s0], $0x280  }
0x10f: {  	[sflag:s0] =	ssyncset.done $0x0  }
0x110: {  	s14 =	rddreg [dreg:$0xd];
	[sflag:s0] =	ssyncadd.s32 $0xFFFFFD80  }
0x111: {  	[hbm4b:s14+s30] =	stream.strided.scatter [tilespmem:s8], [sflag:$0x1], $0x280, s6, s30, $0x38;
	[tilespmem:$0x19900] =	vst v63  }
0x112: {  	_ =	swait.ge [sflag:s0], $0x280  }
0x113: {  	[sflag:s0] =	ssyncset.done $0x0  }
0x114: {  	s15 =	rddreg [dreg:$0xe];
	[sflag:s0] =	ssyncadd.s32 $0xFFFFFD80  }
0x115: {  	[hbm4b:s15+s30] =	stream.strided.scatter [tilespmem:s9], [sflag:$0x1], $0x280, s6, s30, $0x38;
	[tilespmem:$0x19900] =	vst v63  }
0x116: {  	_ =	swait.ge [sflag:s0], $0x280  }
0x117: {  	[sflag:s0] =	ssyncset.done $0x0  }
0x118: {  	s16 =	rddreg [dreg:$0x10];
	[sflag:s0] =	ssyncadd.s32 $0xFFFFFD80  }
0x119: {  	[hbm4b:s16+s30] =	stream.strided.scatter [tilespmem:s10], [sflag:$0x1], $0x280, s6, s30, $0x38;
	[tilespmem:$0x19900] =	vst v63  }
0x11a: {  	_ =	swait.ge [sflag:s0], $0x280  }
0x11b: {  	[sflag:s0] =	ssyncset.done $0x0  }
0x11c: {  	[sflag:s0] =	ssyncadd.s32 $0xFFFFFD80  }
0x11d: {  	[hbm4b:s18+s30] =	stream.strided.scatter [tilespmem:s11], [sflag:$0x1], $0x280, s6, s30, $0x38;
	[tilespmem:$0x19900] =	vst v63  }
0x11e: {  	_ =	swait.ge [sflag:s0], $0x280  }
0x11f: {  	[sflag:s0] =	ssyncset.done $0x0  }
0x120: {  	[sflag:s0] =	ssyncadd.s32 $0xFFFFFD80  }
.LBB2_17:
.Ltmp10:
0x121: {  	(pc) =	sbr.rel @p2 .LBB2_25-.Ltmp10, $1  }
0x122: {  	_ =	sdelay $0x3  }
0x123: {  	s12 =	simm.s32 $0x0;
	s13 =	rddreg [dreg:$0x6]  }
0x124: {  	[tilespmem:s5], [sflag:$0x1] =	stream.linear.gather [hbm4b:s13+s12], $0x80, $0x38;
	[tilespmem:$0x19900] =	vst v63  }
0x125: {  	_ =	swait.ge [sflag:s0], $0x80  }
0x126: {  	[sflag:s0] =	ssyncset.done $0x0  }
0x127: {  	s16 =	rddreg [dreg:$0xf];
	[sflag:s0] =	ssyncadd.s32 $0xFFFFFF80  }
0x128: {  	[tilespmem:s12], [sflag:$0x1] =	stream.strided.gather [hbm4b:s16+s30], $0x4E80, s6, s30, $0x38;
	[tilespmem:$0x19900] =	vst v63  }
0x129: {  	_ =	swait.ge [sflag:s0], $0x4E80  }
0x12a: {  	[sflag:s0] =	ssyncset.done $0x0  }
0x12b: {  	[sflag:s0] =	ssyncadd.s32 $0xFFFFB180  }
0x12c: {  	s14 =	simm.s32 $0x0;
	s13 =	simm.s32 $0x40;
	v3 =	vld [tilespmem:$0x18880]  }
.LBB2_19:
0x12d: {  	p3 =	sne.s32 s13, $0xA00;
	[tilespmem:s14+$0x18900] =	vst v0;
	s15 =	smov.u32 s13;
	s13 =	sadd.s32 $0x40, s13  }
.Ltmp11:
0x12e: {  	[tilespmem:s14+$0x18C00] =	vst v1;
	(pc) =	sbr.rel @p3 .LBB2_19-.Ltmp11, $2  }
0x12f: {  	_ =	sdelay $0x2  }
0x130: {  	s14 =	sshra.s32 s15, $0x2  }
0x131: {  	[tilespmem:s14+$0x18900] =	vst v0  }
0x132: {  	[tilespmem:s14+$0x18C00] =	vst v1  }
0x133: {  	v4 =	vld [tilespmem:s12+$0x0];
	_ =	sdelay $0x4  }
0x134: {  	vm0 =	vgt.f32 v4, v3  }
0x135: {  	v5 =	vsel vm0, $0x1, v1  }
0x136: {  	(xrf0) =	vadd.scan.msk.s32 $0xffff, v5;
	_ =	sdelay $0x5  }
0x137: {  	v5, _, _ =	vpop (xrf0)  }
0x138: {  	(v2sf) =	vpush v5, $0xF  }
0x139: {  	[tilespmem:s12+$0x18900] =	vst.msk vm0, v4;
	v4 =	vor.u32 s12, v2  }
0x13a: {  	s13 =	simm.s32 $0x10;
	[tilespmem:s12+$0x18C00] =	vst.msk vm0, v4  }
0x13b: {  	s14 =	simm.s32 $0x20;
	s15 =	simm.s32 $0x10;
	v4 =	vld [tilespmem:s13+$0x0]  }
.LBB2_21:
0x13c: {  	p3 =	sne.s32 s14, $0x4E10;
	_ =	sdelay $0x3  }
0x13d: {  	vm0 =	vgt.f32 v4, v3  }
0x13e: {  	v5 =	vsel vm0, $0x1, v1  }
0x13f: {  	(xrf0) =	vadd.scan.msk.s32 $0xffff, v5;
	_ =	sdelay $0x4  }
0x140: {  	s16 =	spop (v2sf)  }
.Ltmp12:
0x141: {  	v5, _, _ =	vpop (xrf0);
	s12 =	sadd.s32 s12, s16;
	(pc) =	sbr.rel @p3 .LBB2_21-.Ltmp12, $4  }
0x142: {  	[tilespmem:s12+$0x18900] =	vst.msk vm0, v4;
	v4 =	vor.u32 s13, v2;
	(v2sf) =	vpush v5, $0xF;
	s13 =	smov.u32 s14  }
0x143: {  	[tilespmem:s12+$0x18C00] =	vst.msk vm0, v4  }
0x144: {  	s15 =	sadd.s32 $0x10, s15  }
0x145: {  	s14 =	sadd.s32 $0x10, s14;
	v4 =	vld [tilespmem:s15+$0x0]  }
0x146: {  	_ =	sdelay $0xa  }
0x147: {  	vm0 =	vgt.f32 v4, v3;
	s14 =	spop (v2sf)  }
0x148: {  	v3 =	vsel vm0, $0x1, v1;
	s12 =	sadd.s32 s12, s14  }
0x149: {  	(xrf0) =	vadd.scan.msk.s32 $0xffff, v3;
	v3 =	vor.u32 s13, v2;
	[tilespmem:s12+$0x18900] =	vst.msk vm0, v4  }
0x14a: {  	[tilespmem:s12+$0x18C00] =	vst.msk vm0, v3;
	s12 =	simm.s32 $0x0  }
0x14b: {  	v3 =	vld [tilespmem:s12+$0x18C00];
	_ =	sdelay $0x6  }
0x14c: {  	v4, _, _ =	vpop (xrf0)  }
0x14d: {  	(v2sf) =	vpush v4, $0xF;
	v4 =	vld.idx.msk [tilespmem:v3+s17+$0x0], $0xffff;
	_ =	sdelay $0x4  }
0x14e: {  	[tilespmem:s12+$0x18F00] =	vst v4  }
0x14f: {  	v4 =	vld.idx.msk [tilespmem:v3+s2+$0x0], $0xffff;
	_ =	sdelay $0x4  }
0x150: {  	[tilespmem:s12+$0x19180] =	vst v4  }
0x151: {  	v4 =	vld.idx.msk [tilespmem:v3+s3+$0x0], $0xffff;
	_ =	sdelay $0x3  }
0x152: {  	s13 =	simm.s32 $0x80;
	s14 =	simm.s32 $0x10;
	s16 =	spop (v2sf)  }
.LBB2_23:
0x153: {  	p3 =	sne.s32 s13, $0x9C0;
	v5 =	vld [tilespmem:s14+$0x18C00];
	[tilespmem:s12+$0x19400] =	vst v4  }
0x154: {  	v4 =	vld.idx.msk [tilespmem:v3+s4+$0x0], $0xffff;
	_ =	sdelay $0x3  }
0x155: {  	v3 =	vmov v5;
	_ =	sdelay $0x1  }
0x156: {  	[tilespmem:s12+$0x19680] =	vst v4;
	s12 =	smov.u32 s14  }
0x157: {  	v4 =	vld.idx.msk [tilespmem:v5+s17+$0x0], $0xffff;
	_ =	sdelay $0x5  }
0x158: {  	[tilespmem:s12+$0x18F00] =	vst v4  }
0x159: {  	v4 =	vld.idx.msk [tilespmem:v5+s2+$0x0], $0xffff;
	_ =	sdelay $0x5  }
0x15a: {  	[tilespmem:s12+$0x19180] =	vst v4  }
0x15b: {  	v4 =	vld.idx.msk [tilespmem:v5+s3+$0x0], $0xffff  }
.Ltmp13:
0x15c: {  	(pc) =	sbr.rel @p3 .LBB2_23-.Ltmp13, $2  }
0x15d: {  	_ =	sdelay $0x2  }
0x15e: {  	s14 =	sshra.s32 s13, $0x2;
	s13 =	sadd.s32 $0x40, s13  }
.Ltmp14:
0x15f: {  	_ = 	snop;
	(pc) =	sbr.rel .LBB2_24-.Ltmp14, $1  }
0x160: {  	_ =	sdelay $0x3  }
.LBB2_26:
0x161: {  	_ =	sfence.sel $0x180000  }
0x162: {  	[bflag:$0x0] =	sbarrier.arrive $0xFFFF  }
0x163: {  	_ =	strace $0x90000047  }
0x164: {  	s0 =	stileid.u32;
	[bflag:$0x2] =	sbarrier.arrive $0xFFFF  }
0x165: {  	p0 =	sne.s32 s0, $0x0;
	s0 =	rddreg [dreg:$0x1]  }
0x166: {  	s0 =	sadd.s32 @!p0 $0x100000, s0  }
0x167: {  	[sflag:s0] =	ssyncadd.tile.s32 @!p0 $0x1;
	_ =	shalt  }
.Lfunc_end2:
_tile_overlayer_lowered:
.L_overlay_start_2:
0x168: {  	(tag) =	ssettag $0x2  }
0x169: {  	s0 =	rddreg [dreg:$0x0];
	s2 =	stileid.u32  }
0x16a: {  	s1 =	rddreg [dreg:$0x1];
	p0 =	sne.s32 s2, $0x0  }
0x16b: {  	s3 =	rddreg [dreg:$0x2];
	[bflag:$0x3] =	sbarrier.arrive $0xFFFF;
	s2 =	simm.s32 @!p0 $0x1C01  }
0x16c: {  	[timem:s3], [sflag:s2] =	dma.local @!p0 [hbm:s0], s1  }
0x16d: {  	s0 =	simm.s32 @!p0 $0x1  }
0x16e: {  	_ =	swait.ge @!p0 [sflag:s0], s1  }
0x16f: {  	s1 =	ssub.s32 @!p0 $0x0, s1;
	[sflag:s0] =	ssyncset.done @!p0 $0x0  }
0x170: {  	[sflag:s0] =	ssyncadd.s32 @!p0 s1  }
0x171: {  	[bflag:$0x3] =	sbarrier.arrive $0xFFFF  }
0x172: {  	_ =	shalt  }

</sc_bundles>
